<compile_context>
chip_gen: v7x
topology: tpu7x:2x2x1
jax: 0.10.2.dev20260603
libtpu: 0.0.44.dev20260713+nightly
codegen_flags: <defaults>
</compile_context>

<pallas_src>
import functools

import jax
import jax.numpy as jnp
from jax import lax
from jax.experimental import pallas as pl
from jax.experimental.pallas import tpu as pltpu
from jax.experimental.pallas import tpu_sc as plsc

D_MODEL = 128
NUM_WORKERS = 32
CHUNK = 128
NBUF = 6
LOOK = 3


@functools.partial(jax.jit, static_argnums=(0,))
def _gather_rows(n_chunks, index_w, table):
    rows_total = NUM_WORKERS * n_chunks * CHUNK
    rows_per_w = n_chunks * CHUNK
    mesh = plsc.VectorSubcoreMesh(core_axis_name="c", subcore_axis_name="s")
    assert n_chunks >= NBUF + LOOK + 2
    assert (n_chunks - (2 * LOOK + 2)) % NBUF == 0

    @functools.partial(
        pl.kernel,
        mesh=mesh,
        out_type=jax.ShapeDtypeStruct((rows_total, D_MODEL), jnp.float32),
        scratch_types=[
            pltpu.VMEM((n_chunks, CHUNK), jnp.int32),
            pltpu.VMEM_SHARED((1000, D_MODEL), jnp.float32),
            *[pltpu.VMEM((CHUNK, D_MODEL), jnp.float32) for _ in range(NBUF)],
            *[pltpu.SemaphoreType.DMA for _ in range(2 * NBUF)],
        ],
    )
    def k(idx_hbm, table_hbm, out_hbm, idx_v, table_sp, *rest):
        bufs = rest[:NBUF]
        gsems = rest[NBUF:2 * NBUF]
        wsems = rest[2 * NBUF:]
        wid = lax.axis_index("s") * 2 + lax.axis_index("c")
        base = wid * rows_per_w

        @pl.when(lax.axis_index("s") == 0)
        def _():
            pltpu.sync_copy(table_hbm, table_sp)

        pltpu.sync_copy(idx_hbm.at[wid], idx_v)
        plsc.subcore_barrier()

        def g_start(gg, bi):
            pltpu.async_copy(table_sp.at[idx_v.at[gg]], bufs[bi], gsems[bi])

        def g_wait(bi):
            pltpu.make_async_copy(
                table_sp.at[idx_v.at[0]], bufs[bi], gsems[bi]).wait()

        def w_start(gg, bi):
            pltpu.async_copy(
                bufs[bi], out_hbm.at[pl.ds(base + gg * CHUNK, CHUNK)],
                wsems[bi])

        def w_wait(bi):
            pltpu.make_async_copy(
                bufs[bi], out_hbm.at[pl.ds(base, CHUNK)], wsems[bi]).wait()

        def enc(gg, bi):
            g_wait(bi)
            w_start(gg, bi)
            w_wait((bi + LOOK) % NBUF)
            g_start(gg + LOOK, (bi + LOOK) % NBUF)

        for gg in range(LOOK):
            g_start(gg, gg % NBUF)
        for gg in range(LOOK + 2):
            bi = gg % NBUF
            g_wait(bi)
            w_start(gg, bi)
            if gg >= NBUF - LOOK:
                w_wait((bi + LOOK) % NBUF)
            g_start(gg + LOOK, (gg + LOOK) % NBUF)

        @pl.loop(LOOK + 2, n_chunks - LOOK, step=NBUF)
        def body(g):
            for b in range(NBUF):
                enc(g + b, (LOOK + 2 + b) % NBUF)

        for gg in range(n_chunks - LOOK, n_chunks):
            bi = gg % NBUF
            g_wait(bi)
            w_start(gg, bi)
            w_wait((bi + LOOK) % NBUF)
        for gg in range(n_chunks - LOOK, n_chunks):
            w_wait(gg % NBUF)

    return k(index_w, table)


def kernel(patch_shape, index, position_embedding):
    batch, patch_num = index.shape
    d_model = position_embedding.shape[1]
    rows = batch * patch_num
    n_chunks = rows // (NUM_WORKERS * CHUNK)
    idx_t = index.astype(jnp.int32).T.reshape(NUM_WORKERS, n_chunks, CHUNK)
    out = _gather_rows(n_chunks, idx_t, position_embedding)
    return out.reshape(patch_num, batch, d_model).transpose(1, 0, 2)

# --- scband reference (transcript-rebuilt; emitter-appended) ---
"""Pipeline reference for scband-learnable-position-embedding-53747220742566 (READ-ONLY COPY).

The authoritative reference and input builder live on the scoring server;
editing this copy changes nothing except your own understanding.
"""

import jax, jax.numpy as jnp
import numpy as np

BATCH = 4096
PATCH_NUM = 50
D_MODEL = 128
MAX_LEN = 1000


def setup_inputs(seed: int = 0) -> dict:
    key = jax.random.key(seed)
    k_idx, k_tab = jax.random.split(key)
    # patch_shape is a plain Python tuple describing [batch, patch_num, d_model]
    patch_shape = (BATCH, PATCH_NUM, D_MODEL)
    index = jax.random.randint(k_idx, (BATCH, PATCH_NUM), 0, MAX_LEN, dtype=jnp.int64 if jax.config.jax_enable_x64 else jnp.int32)
    position_embedding = jax.random.normal(k_tab, (MAX_LEN, D_MODEL), dtype=jnp.float32)
    return {"patch_shape": patch_shape, "index": index, "position_embedding": position_embedding}


def reference(patch_shape, index, position_embedding):
    # 3-D branch of the torch module:
    # position_embedding expanded to [B, max_len, d_model], then gathered along dim=1
    # with index expanded to [B, patch_num, d_model]. Equivalent to a row gather
    # from the table per (b, p) position: pe[b, p, :] = table[index[b, p], :].
    batch_size, patch_num, d_model = patch_shape
    pe = jnp.take(position_embedding, index, axis=0)  # [B, patch_num, d_model]
    return pe

if __name__ == "__main__":
    import jax
    _d = setup_inputs()
    print(jax.jit(kernel)(*tuple(_d.values())))

</pallas_src>

<mosaic_0001>
#map = affine_map<(d0, d1) -> (0, 0, 0)>
#map1 = affine_map<(d0, d1) -> (0, 0)>
module attributes {stable_mosaic.version = 14 : i64} {
  func.func @k(%arg0: i32, %arg1: i32, %arg2: memref<32x50x128xi32, #tpu.memory_space<hbm>>, %arg3: memref<1000x128xf32, #tpu.memory_space<hbm>>, %arg4: memref<204800x128xf32, #tpu.memory_space<hbm>>, %arg5: memref<50x128xi32, #tpu.memory_space<vmem>>, %arg6: memref<1000x128xf32, #tpu.memory_space<vmem_shared>>, %arg7: memref<128x128xf32, #tpu.memory_space<vmem>>, %arg8: memref<128x128xf32, #tpu.memory_space<vmem>>, %arg9: memref<128x128xf32, #tpu.memory_space<vmem>>, %arg10: memref<128x128xf32, #tpu.memory_space<vmem>>, %arg11: memref<128x128xf32, #tpu.memory_space<vmem>>, %arg12: memref<128x128xf32, #tpu.memory_space<vmem>>, %arg13: memref<!tpu.dma_semaphore, #tpu.memory_space<semaphore_mem>>, %arg14: memref<!tpu.dma_semaphore, #tpu.memory_space<semaphore_mem>>, %arg15: memref<!tpu.dma_semaphore, #tpu.memory_space<semaphore_mem>>, %arg16: memref<!tpu.dma_semaphore, #tpu.memory_space<semaphore_mem>>, %arg17: memref<!tpu.dma_semaphore, #tpu.memory_space<semaphore_mem>>, %arg18: memref<!tpu.dma_semaphore, #tpu.memory_space<semaphore_mem>>, %arg19: memref<!tpu.dma_semaphore, #tpu.memory_space<semaphore_mem>>, %arg20: memref<!tpu.dma_semaphore, #tpu.memory_space<semaphore_mem>>, %arg21: memref<!tpu.dma_semaphore, #tpu.memory_space<semaphore_mem>>, %arg22: memref<!tpu.dma_semaphore, #tpu.memory_space<semaphore_mem>>, %arg23: memref<!tpu.dma_semaphore, #tpu.memory_space<semaphore_mem>>, %arg24: memref<!tpu.dma_semaphore, #tpu.memory_space<semaphore_mem>>) attributes {dimension_semantics = [#tpu.dimension_semantics<core_parallel>, #tpu.dimension_semantics<subcore_parallel>], iteration_bounds = array<i64: 2, 16>, scalar_prefetch = 0 : i64, scratch_operands = 20 : i64, tpu.core_type = #tpu.core_type<sc_vector_subcore>, window_params = [{transform_indices = #map}, {transform_indices = #map1}, {transform_indices = #map1}]} {
    %mul3A = arith.constant 2 : i32
    %mul3A_0 = arith.muli %arg1, %mul3A : i32
    %add3A = arith.addi %mul3A_0, %arg0 : i32
    %mul3A_1 = arith.constant 6400 : i32
    %mul3A_2 = arith.muli %add3A, %mul3A_1 : i32
    %eq3A = arith.constant 0 : i32
    %eq3A_3 = arith.cmpi eq, %arg1, %eq3A : i32
    %convert_element_type3A = arith.extui %eq3A_3 : i1 to i32
    %cond3A = arith.constant 0 : i32
    %cond3A_4 = arith.cmpi ne, %convert_element_type3A, %cond3A : i32
    scf.if %cond3A_4 {
      "tpu.region"() ({
        %run_scoped3A = tpu.sem_alloc : memref<!tpu.dma_semaphore, #tpu.memory_space<semaphore_mem>>
        tpu.enqueue_dma source(%arg3 : memref<1000x128xf32, #tpu.memory_space<hbm>>) target(%arg6 : memref<1000x128xf32, #tpu.memory_space<vmem_shared>>) target_semaphore(%run_scoped3A : memref<!tpu.dma_semaphore, #tpu.memory_space<semaphore_mem>>)
        tpu.wait_dma2 semaphore(%run_scoped3A : memref<!tpu.dma_semaphore, #tpu.memory_space<semaphore_mem>>) src(%arg3 : memref<1000x128xf32, #tpu.memory_space<hbm>>) dst(%arg6 : memref<1000x128xf32, #tpu.memory_space<vmem_shared>>)
        tpu.yield
      }) : () -> ()
    } else {
    }
    "tpu.region"() ({
      %run_scoped3A = tpu.sem_alloc : memref<!tpu.dma_semaphore, #tpu.memory_space<semaphore_mem>>
      %dma_start3A_199 = arith.constant 0 : i32
      %dma_start3A_200 = arith.constant 0 : i32
      %dma_start3A_201 = tpu.memref_slice %arg2[%add3A, %dma_start3A_199, %dma_start3A_200] : memref<32x50x128xi32, #tpu.memory_space<hbm>> -> memref<1x50x128xi32, #tpu.memory_space<hbm>>
      %dma_start3A_202 = tpu.memref_squeeze %dma_start3A_201 : memref<1x50x128xi32, #tpu.memory_space<hbm>> -> memref<50x128xi32, #tpu.memory_space<hbm>>
      %dma_start3A_203 = arith.constant 0 : i32
      %dma_start3A_204 = arith.constant 0 : i32
      %dma_start3A_205 = tpu.memref_slice %arg2[%add3A, %dma_start3A_203, %dma_start3A_204] : memref<32x50x128xi32, #tpu.memory_space<hbm>> -> memref<1x50x128xi32, #tpu.memory_space<hbm>>
      %dma_start3A_206 = tpu.memref_squeeze %dma_start3A_205 : memref<1x50x128xi32, #tpu.memory_space<hbm>> -> memref<50x128xi32, #tpu.memory_space<hbm>>
      tpu.enqueue_dma source(%dma_start3A_206 : memref<50x128xi32, #tpu.memory_space<hbm>>) target(%arg5 : memref<50x128xi32, #tpu.memory_space<vmem>>) target_semaphore(%run_scoped3A : memref<!tpu.dma_semaphore, #tpu.memory_space<semaphore_mem>>)
      %dma_wait3A_207 = arith.constant 0 : i32
      %dma_wait3A_208 = arith.constant 0 : i32
      %dma_wait3A_209 = tpu.memref_slice %arg2[%add3A, %dma_wait3A_207, %dma_wait3A_208] : memref<32x50x128xi32, #tpu.memory_space<hbm>> -> memref<1x50x128xi32, #tpu.memory_space<hbm>>
      %dma_wait3A_210 = tpu.memref_squeeze %dma_wait3A_209 : memref<1x50x128xi32, #tpu.memory_space<hbm>> -> memref<50x128xi32, #tpu.memory_space<hbm>>
      %dma_wait3A_211 = arith.constant 0 : i32
      %dma_wait3A_212 = arith.constant 0 : i32
      %dma_wait3A_213 = tpu.memref_slice %arg2[%add3A, %dma_wait3A_211, %dma_wait3A_212] : memref<32x50x128xi32, #tpu.memory_space<hbm>> -> memref<1x50x128xi32, #tpu.memory_space<hbm>>
      %dma_wait3A_214 = tpu.memref_squeeze %dma_wait3A_213 : memref<1x50x128xi32, #tpu.memory_space<hbm>> -> memref<50x128xi32, #tpu.memory_space<hbm>>
      tpu.wait_dma2 semaphore(%run_scoped3A : memref<!tpu.dma_semaphore, #tpu.memory_space<semaphore_mem>>) src(%dma_wait3A_214 : memref<50x128xi32, #tpu.memory_space<hbm>>) dst(%arg5 : memref<50x128xi32, #tpu.memory_space<vmem>>)
      tpu.yield
    }) : () -> ()
    %barrier3A = arith.constant 0 : index
    tpu.barrier barrier_id(%barrier3A)
    %dma_start3A = arith.constant 0 : i32
    %dma_start3A_5 = arith.constant 0 : i32
    %dma_start3A_6 = tpu.memref_slice %arg5[%dma_start3A, %dma_start3A_5] : memref<50x128xi32, #tpu.memory_space<vmem>> -> memref<1x128xi32, #tpu.memory_space<vmem>>
    %dma_start3A_7 = tpu.memref_squeeze %dma_start3A_6 : memref<1x128xi32, #tpu.memory_space<vmem>> -> memref<128xi32, #tpu.memory_space<vmem>>
    %dma_start3A_8 = arith.constant 0 : i32
    %dma_start3A_9 = arith.constant 0 : i32
    %dma_start3A_10 = tpu.memref_slice %arg6[%dma_start3A_8, %dma_start3A_9] : memref<1000x128xf32, #tpu.memory_space<vmem_shared>> -> memref<1000x128xf32, #tpu.memory_space<vmem_shared>>
    tpu.enqueue_indirect_dma source(%dma_start3A_10 : memref<1000x128xf32, #tpu.memory_space<vmem_shared>>) target(%arg7 : memref<128x128xf32, #tpu.memory_space<vmem>>) offsets(%dma_start3A_7 : memref<128xi32, #tpu.memory_space<vmem>>) semaphore(%arg13 : memref<!tpu.dma_semaphore, #tpu.memory_space<semaphore_mem>>)
    %dma_start3A_11 = arith.constant 1 : i32
    %dma_start3A_12 = arith.constant 0 : i32
    %dma_start3A_13 = tpu.memref_slice %arg5[%dma_start3A_11, %dma_start3A_12] : memref<50x128xi32, #tpu.memory_space<vmem>> -> memref<1x128xi32, #tpu.memory_space<vmem>>
    %dma_start3A_14 = tpu.memref_squeeze %dma_start3A_13 : memref<1x128xi32, #tpu.memory_space<vmem>> -> memref<128xi32, #tpu.memory_space<vmem>>
    %dma_start3A_15 = arith.constant 0 : i32
    %dma_start3A_16 = arith.constant 0 : i32
    %dma_start3A_17 = tpu.memref_slice %arg6[%dma_start3A_15, %dma_start3A_16] : memref<1000x128xf32, #tpu.memory_space<vmem_shared>> -> memref<1000x128xf32, #tpu.memory_space<vmem_shared>>
    tpu.enqueue_indirect_dma source(%dma_start3A_17 : memref<1000x128xf32, #tpu.memory_space<vmem_shared>>) target(%arg8 : memref<128x128xf32, #tpu.memory_space<vmem>>) offsets(%dma_start3A_14 : memref<128xi32, #tpu.memory_space<vmem>>) semaphore(%arg14 : memref<!tpu.dma_semaphore, #tpu.memory_space<semaphore_mem>>)
    %dma_start3A_18 = arith.constant 2 : i32
    %dma_start3A_19 = arith.constant 0 : i32
    %dma_start3A_20 = tpu.memref_slice %arg5[%dma_start3A_18, %dma_start3A_19] : memref<50x128xi32, #tpu.memory_space<vmem>> -> memref<1x128xi32, #tpu.memory_space<vmem>>
    %dma_start3A_21 = tpu.memref_squeeze %dma_start3A_20 : memref<1x128xi32, #tpu.memory_space<vmem>> -> memref<128xi32, #tpu.memory_space<vmem>>
    %dma_start3A_22 = arith.constant 0 : i32
    %dma_start3A_23 = arith.constant 0 : i32
    %dma_start3A_24 = tpu.memref_slice %arg6[%dma_start3A_22, %dma_start3A_23] : memref<1000x128xf32, #tpu.memory_space<vmem_shared>> -> memref<1000x128xf32, #tpu.memory_space<vmem_shared>>
    tpu.enqueue_indirect_dma source(%dma_start3A_24 : memref<1000x128xf32, #tpu.memory_space<vmem_shared>>) target(%arg9 : memref<128x128xf32, #tpu.memory_space<vmem>>) offsets(%dma_start3A_21 : memref<128xi32, #tpu.memory_space<vmem>>) semaphore(%arg15 : memref<!tpu.dma_semaphore, #tpu.memory_space<semaphore_mem>>)
    %dma_wait3A = arith.constant 0 : i32
    %dma_wait3A_25 = arith.constant 0 : i32
    %dma_wait3A_26 = tpu.memref_slice %arg5[%dma_wait3A, %dma_wait3A_25] : memref<50x128xi32, #tpu.memory_space<vmem>> -> memref<1x128xi32, #tpu.memory_space<vmem>>
    %dma_wait3A_27 = tpu.memref_squeeze %dma_wait3A_26 : memref<1x128xi32, #tpu.memory_space<vmem>> -> memref<128xi32, #tpu.memory_space<vmem>>
    %dma_wait3A_28 = arith.constant 0 : i32
    %dma_wait3A_29 = arith.constant 0 : i32
    %dma_wait3A_30 = tpu.memref_slice %arg6[%dma_wait3A_28, %dma_wait3A_29] : memref<1000x128xf32, #tpu.memory_space<vmem_shared>> -> memref<1000x128xf32, #tpu.memory_space<vmem_shared>>
    tpu.wait_indirect_dma semaphore(%arg13 : memref<!tpu.dma_semaphore, #tpu.memory_space<semaphore_mem>>) src(%dma_wait3A_30 : memref<1000x128xf32, #tpu.memory_space<vmem_shared>>) dst(%arg7 : memref<128x128xf32, #tpu.memory_space<vmem>>)
    %add3A_31 = arith.constant 0 : i32
    %add3A_32 = arith.addi %mul3A_2, %add3A_31 : i32
    %dma_start3A_33 = arith.constant 0 : i32
    %dma_start3A_34 = tpu.memref_slice %arg4[%add3A_32, %dma_start3A_33] : memref<204800x128xf32, #tpu.memory_space<hbm>> -> memref<128x128xf32, #tpu.memory_space<hbm>>
    %dma_start3A_35 = arith.constant 0 : i32
    %dma_start3A_36 = tpu.memref_slice %arg4[%add3A_32, %dma_start3A_35] : memref<204800x128xf32, #tpu.memory_space<hbm>> -> memref<128x128xf32, #tpu.memory_space<hbm>>
    tpu.enqueue_dma source(%arg7 : memref<128x128xf32, #tpu.memory_space<vmem>>) target(%dma_start3A_36 : memref<128x128xf32, #tpu.memory_space<hbm>>) target_semaphore(%arg19 : memref<!tpu.dma_semaphore, #tpu.memory_space<semaphore_mem>>)
    %dma_start3A_37 = arith.constant 3 : i32
    %dma_start3A_38 = arith.constant 0 : i32
    %dma_start3A_39 = tpu.memref_slice %arg5[%dma_start3A_37, %dma_start3A_38] : memref<50x128xi32, #tpu.memory_space<vmem>> -> memref<1x128xi32, #tpu.memory_space<vmem>>
    %dma_start3A_40 = tpu.memref_squeeze %dma_start3A_39 : memref<1x128xi32, #tpu.memory_space<vmem>> -> memref<128xi32, #tpu.memory_space<vmem>>
    %dma_start3A_41 = arith.constant 0 : i32
    %dma_start3A_42 = arith.constant 0 : i32
    %dma_start3A_43 = tpu.memref_slice %arg6[%dma_start3A_41, %dma_start3A_42] : memref<1000x128xf32, #tpu.memory_space<vmem_shared>> -> memref<1000x128xf32, #tpu.memory_space<vmem_shared>>
    tpu.enqueue_indirect_dma source(%dma_start3A_43 : memref<1000x128xf32, #tpu.memory_space<vmem_shared>>) target(%arg10 : memref<128x128xf32, #tpu.memory_space<vmem>>) offsets(%dma_start3A_40 : memref<128xi32, #tpu.memory_space<vmem>>) semaphore(%arg16 : memref<!tpu.dma_semaphore, #tpu.memory_space<semaphore_mem>>)
    %dma_wait3A_44 = arith.constant 0 : i32
    %dma_wait3A_45 = arith.constant 0 : i32
    %dma_wait3A_46 = tpu.memref_slice %arg5[%dma_wait3A_44, %dma_wait3A_45] : memref<50x128xi32, #tpu.memory_space<vmem>> -> memref<1x128xi32, #tpu.memory_space<vmem>>
    %dma_wait3A_47 = tpu.memref_squeeze %dma_wait3A_46 : memref<1x128xi32, #tpu.memory_space<vmem>> -> memref<128xi32, #tpu.memory_space<vmem>>
    %dma_wait3A_48 = arith.constant 0 : i32
    %dma_wait3A_49 = arith.constant 0 : i32
    %dma_wait3A_50 = tpu.memref_slice %arg6[%dma_wait3A_48, %dma_wait3A_49] : memref<1000x128xf32, #tpu.memory_space<vmem_shared>> -> memref<1000x128xf32, #tpu.memory_space<vmem_shared>>
    tpu.wait_indirect_dma semaphore(%arg14 : memref<!tpu.dma_semaphore, #tpu.memory_space<semaphore_mem>>) src(%dma_wait3A_50 : memref<1000x128xf32, #tpu.memory_space<vmem_shared>>) dst(%arg8 : memref<128x128xf32, #tpu.memory_space<vmem>>)
    %add3A_51 = arith.constant 128 : i32
    %add3A_52 = arith.addi %mul3A_2, %add3A_51 : i32
    %dma_start3A_53 = arith.constant 0 : i32
    %dma_start3A_54 = tpu.memref_slice %arg4[%add3A_52, %dma_start3A_53] : memref<204800x128xf32, #tpu.memory_space<hbm>> -> memref<128x128xf32, #tpu.memory_space<hbm>>
    %dma_start3A_55 = arith.constant 0 : i32
    %dma_start3A_56 = tpu.memref_slice %arg4[%add3A_52, %dma_start3A_55] : memref<204800x128xf32, #tpu.memory_space<hbm>> -> memref<128x128xf32, #tpu.memory_space<hbm>>
    tpu.enqueue_dma source(%arg8 : memref<128x128xf32, #tpu.memory_space<vmem>>) target(%dma_start3A_56 : memref<128x128xf32, #tpu.memory_space<hbm>>) target_semaphore(%arg20 : memref<!tpu.dma_semaphore, #tpu.memory_space<semaphore_mem>>)
    %dma_start3A_57 = arith.constant 4 : i32
    %dma_start3A_58 = arith.constant 0 : i32
    %dma_start3A_59 = tpu.memref_slice %arg5[%dma_start3A_57, %dma_start3A_58] : memref<50x128xi32, #tpu.memory_space<vmem>> -> memref<1x128xi32, #tpu.memory_space<vmem>>
    %dma_start3A_60 = tpu.memref_squeeze %dma_start3A_59 : memref<1x128xi32, #tpu.memory_space<vmem>> -> memref<128xi32, #tpu.memory_space<vmem>>
    %dma_start3A_61 = arith.constant 0 : i32
    %dma_start3A_62 = arith.constant 0 : i32
    %dma_start3A_63 = tpu.memref_slice %arg6[%dma_start3A_61, %dma_start3A_62] : memref<1000x128xf32, #tpu.memory_space<vmem_shared>> -> memref<1000x128xf32, #tpu.memory_space<vmem_shared>>
    tpu.enqueue_indirect_dma source(%dma_start3A_63 : memref<1000x128xf32, #tpu.memory_space<vmem_shared>>) target(%arg11 : memref<128x128xf32, #tpu.memory_space<vmem>>) offsets(%dma_start3A_60 : memref<128xi32, #tpu.memory_space<vmem>>) semaphore(%arg17 : memref<!tpu.dma_semaphore, #tpu.memory_space<semaphore_mem>>)
    %dma_wait3A_64 = arith.constant 0 : i32
    %dma_wait3A_65 = arith.constant 0 : i32
    %dma_wait3A_66 = tpu.memref_slice %arg5[%dma_wait3A_64, %dma_wait3A_65] : memref<50x128xi32, #tpu.memory_space<vmem>> -> memref<1x128xi32, #tpu.memory_space<vmem>>
    %dma_wait3A_67 = tpu.memref_squeeze %dma_wait3A_66 : memref<1x128xi32, #tpu.memory_space<vmem>> -> memref<128xi32, #tpu.memory_space<vmem>>
    %dma_wait3A_68 = arith.constant 0 : i32
    %dma_wait3A_69 = arith.constant 0 : i32
    %dma_wait3A_70 = tpu.memref_slice %arg6[%dma_wait3A_68, %dma_wait3A_69] : memref<1000x128xf32, #tpu.memory_space<vmem_shared>> -> memref<1000x128xf32, #tpu.memory_space<vmem_shared>>
    tpu.wait_indirect_dma semaphore(%arg15 : memref<!tpu.dma_semaphore, #tpu.memory_space<semaphore_mem>>) src(%dma_wait3A_70 : memref<1000x128xf32, #tpu.memory_space<vmem_shared>>) dst(%arg9 : memref<128x128xf32, #tpu.memory_space<vmem>>)
    %add3A_71 = arith.constant 256 : i32
    %add3A_72 = arith.addi %mul3A_2, %add3A_71 : i32
    %dma_start3A_73 = arith.constant 0 : i32
    %dma_start3A_74 = tpu.memref_slice %arg4[%add3A_72, %dma_start3A_73] : memref<204800x128xf32, #tpu.memory_space<hbm>> -> memref<128x128xf32, #tpu.memory_space<hbm>>
    %dma_start3A_75 = arith.constant 0 : i32
    %dma_start3A_76 = tpu.memref_slice %arg4[%add3A_72, %dma_start3A_75] : memref<204800x128xf32, #tpu.memory_space<hbm>> -> memref<128x128xf32, #tpu.memory_space<hbm>>
    tpu.enqueue_dma source(%arg9 : memref<128x128xf32, #tpu.memory_space<vmem>>) target(%dma_start3A_76 : memref<128x128xf32, #tpu.memory_space<hbm>>) target_semaphore(%arg21 : memref<!tpu.dma_semaphore, #tpu.memory_space<semaphore_mem>>)
    %dma_start3A_77 = arith.constant 5 : i32
    %dma_start3A_78 = arith.constant 0 : i32
    %dma_start3A_79 = tpu.memref_slice %arg5[%dma_start3A_77, %dma_start3A_78] : memref<50x128xi32, #tpu.memory_space<vmem>> -> memref<1x128xi32, #tpu.memory_space<vmem>>
    %dma_start3A_80 = tpu.memref_squeeze %dma_start3A_79 : memref<1x128xi32, #tpu.memory_space<vmem>> -> memref<128xi32, #tpu.memory_space<vmem>>
    %dma_start3A_81 = arith.constant 0 : i32
    %dma_start3A_82 = arith.constant 0 : i32
    %dma_start3A_83 = tpu.memref_slice %arg6[%dma_start3A_81, %dma_start3A_82] : memref<1000x128xf32, #tpu.memory_space<vmem_shared>> -> memref<1000x128xf32, #tpu.memory_space<vmem_shared>>
    tpu.enqueue_indirect_dma source(%dma_start3A_83 : memref<1000x128xf32, #tpu.memory_space<vmem_shared>>) target(%arg12 : memref<128x128xf32, #tpu.memory_space<vmem>>) offsets(%dma_start3A_80 : memref<128xi32, #tpu.memory_space<vmem>>) semaphore(%arg18 : memref<!tpu.dma_semaphore, #tpu.memory_space<semaphore_mem>>)
    %dma_wait3A_84 = arith.constant 0 : i32
    %dma_wait3A_85 = arith.constant 0 : i32
    %dma_wait3A_86 = tpu.memref_slice %arg5[%dma_wait3A_84, %dma_wait3A_85] : memref<50x128xi32, #tpu.memory_space<vmem>> -> memref<1x128xi32, #tpu.memory_space<vmem>>
    %dma_wait3A_87 = tpu.memref_squeeze %dma_wait3A_86 : memref<1x128xi32, #tpu.memory_space<vmem>> -> memref<128xi32, #tpu.memory_space<vmem>>
    %dma_wait3A_88 = arith.constant 0 : i32
    %dma_wait3A_89 = arith.constant 0 : i32
    %dma_wait3A_90 = tpu.memref_slice %arg6[%dma_wait3A_88, %dma_wait3A_89] : memref<1000x128xf32, #tpu.memory_space<vmem_shared>> -> memref<1000x128xf32, #tpu.memory_space<vmem_shared>>
    tpu.wait_indirect_dma semaphore(%arg16 : memref<!tpu.dma_semaphore, #tpu.memory_space<semaphore_mem>>) src(%dma_wait3A_90 : memref<1000x128xf32, #tpu.memory_space<vmem_shared>>) dst(%arg10 : memref<128x128xf32, #tpu.memory_space<vmem>>)
    %add3A_91 = arith.constant 384 : i32
    %add3A_92 = arith.addi %mul3A_2, %add3A_91 : i32
    %dma_start3A_93 = arith.constant 0 : i32
    %dma_start3A_94 = tpu.memref_slice %arg4[%add3A_92, %dma_start3A_93] : memref<204800x128xf32, #tpu.memory_space<hbm>> -> memref<128x128xf32, #tpu.memory_space<hbm>>
    %dma_start3A_95 = arith.constant 0 : i32
    %dma_start3A_96 = tpu.memref_slice %arg4[%add3A_92, %dma_start3A_95] : memref<204800x128xf32, #tpu.memory_space<hbm>> -> memref<128x128xf32, #tpu.memory_space<hbm>>
    tpu.enqueue_dma source(%arg10 : memref<128x128xf32, #tpu.memory_space<vmem>>) target(%dma_start3A_96 : memref<128x128xf32, #tpu.memory_space<hbm>>) target_semaphore(%arg22 : memref<!tpu.dma_semaphore, #tpu.memory_space<semaphore_mem>>)
    %dma_wait3A_97 = arith.constant 0 : i32
    %dma_wait3A_98 = tpu.memref_slice %arg4[%mul3A_2, %dma_wait3A_97] : memref<204800x128xf32, #tpu.memory_space<hbm>> -> memref<128x128xf32, #tpu.memory_space<hbm>>
    %dma_wait3A_99 = arith.constant 0 : i32
    %dma_wait3A_100 = tpu.memref_slice %arg4[%mul3A_2, %dma_wait3A_99] : memref<204800x128xf32, #tpu.memory_space<hbm>> -> memref<128x128xf32, #tpu.memory_space<hbm>>
    tpu.wait_dma2 semaphore(%arg19 : memref<!tpu.dma_semaphore, #tpu.memory_space<semaphore_mem>>) src(%arg7 : memref<128x128xf32, #tpu.memory_space<vmem>>) dst(%dma_wait3A_100 : memref<128x128xf32, #tpu.memory_space<hbm>>)
    %dma_start3A_101 = arith.constant 6 : i32
    %dma_start3A_102 = arith.constant 0 : i32
    %dma_start3A_103 = tpu.memref_slice %arg5[%dma_start3A_101, %dma_start3A_102] : memref<50x128xi32, #tpu.memory_space<vmem>> -> memref<1x128xi32, #tpu.memory_space<vmem>>
    %dma_start3A_104 = tpu.memref_squeeze %dma_start3A_103 : memref<1x128xi32, #tpu.memory_space<vmem>> -> memref<128xi32, #tpu.memory_space<vmem>>
    %dma_start3A_105 = arith.constant 0 : i32
    %dma_start3A_106 = arith.constant 0 : i32
    %dma_start3A_107 = tpu.memref_slice %arg6[%dma_start3A_105, %dma_start3A_106] : memref<1000x128xf32, #tpu.memory_space<vmem_shared>> -> memref<1000x128xf32, #tpu.memory_space<vmem_shared>>
    tpu.enqueue_indirect_dma source(%dma_start3A_107 : memref<1000x128xf32, #tpu.memory_space<vmem_shared>>) target(%arg7 : memref<128x128xf32, #tpu.memory_space<vmem>>) offsets(%dma_start3A_104 : memref<128xi32, #tpu.memory_space<vmem>>) semaphore(%arg13 : memref<!tpu.dma_semaphore, #tpu.memory_space<semaphore_mem>>)
    %dma_wait3A_108 = arith.constant 0 : i32
    %dma_wait3A_109 = arith.constant 0 : i32
    %dma_wait3A_110 = tpu.memref_slice %arg5[%dma_wait3A_108, %dma_wait3A_109] : memref<50x128xi32, #tpu.memory_space<vmem>> -> memref<1x128xi32, #tpu.memory_space<vmem>>
    %dma_wait3A_111 = tpu.memref_squeeze %dma_wait3A_110 : memref<1x128xi32, #tpu.memory_space<vmem>> -> memref<128xi32, #tpu.memory_space<vmem>>
    %dma_wait3A_112 = arith.constant 0 : i32
    %dma_wait3A_113 = arith.constant 0 : i32
    %dma_wait3A_114 = tpu.memref_slice %arg6[%dma_wait3A_112, %dma_wait3A_113] : memref<1000x128xf32, #tpu.memory_space<vmem_shared>> -> memref<1000x128xf32, #tpu.memory_space<vmem_shared>>
    tpu.wait_indirect_dma semaphore(%arg17 : memref<!tpu.dma_semaphore, #tpu.memory_space<semaphore_mem>>) src(%dma_wait3A_114 : memref<1000x128xf32, #tpu.memory_space<vmem_shared>>) dst(%arg11 : memref<128x128xf32, #tpu.memory_space<vmem>>)
    %add3A_115 = arith.constant 512 : i32
    %add3A_116 = arith.addi %mul3A_2, %add3A_115 : i32
    %dma_start3A_117 = arith.constant 0 : i32
    %dma_start3A_118 = tpu.memref_slice %arg4[%add3A_116, %dma_start3A_117] : memref<204800x128xf32, #tpu.memory_space<hbm>> -> memref<128x128xf32, #tpu.memory_space<hbm>>
    %dma_start3A_119 = arith.constant 0 : i32
    %dma_start3A_120 = tpu.memref_slice %arg4[%add3A_116, %dma_start3A_119] : memref<204800x128xf32, #tpu.memory_space<hbm>> -> memref<128x128xf32, #tpu.memory_space<hbm>>
    tpu.enqueue_dma source(%arg11 : memref<128x128xf32, #tpu.memory_space<vmem>>) target(%dma_start3A_120 : memref<128x128xf32, #tpu.memory_space<hbm>>) target_semaphore(%arg23 : memref<!tpu.dma_semaphore, #tpu.memory_space<semaphore_mem>>)
    %dma_wait3A_121 = arith.constant 0 : i32
    %dma_wait3A_122 = tpu.memref_slice %arg4[%mul3A_2, %dma_wait3A_121] : memref<204800x128xf32, #tpu.memory_space<hbm>> -> memref<128x128xf32, #tpu.memory_space<hbm>>
    %dma_wait3A_123 = arith.constant 0 : i32
    %dma_wait3A_124 = tpu.memref_slice %arg4[%mul3A_2, %dma_wait3A_123] : memref<204800x128xf32, #tpu.memory_space<hbm>> -> memref<128x128xf32, #tpu.memory_space<hbm>>
    tpu.wait_dma2 semaphore(%arg20 : memref<!tpu.dma_semaphore, #tpu.memory_space<semaphore_mem>>) src(%arg8 : memref<128x128xf32, #tpu.memory_space<vmem>>) dst(%dma_wait3A_124 : memref<128x128xf32, #tpu.memory_space<hbm>>)
    %dma_start3A_125 = arith.constant 7 : i32
    %dma_start3A_126 = arith.constant 0 : i32
    %dma_start3A_127 = tpu.memref_slice %arg5[%dma_start3A_125, %dma_start3A_126] : memref<50x128xi32, #tpu.memory_space<vmem>> -> memref<1x128xi32, #tpu.memory_space<vmem>>
    %dma_start3A_128 = tpu.memref_squeeze %dma_start3A_127 : memref<1x128xi32, #tpu.memory_space<vmem>> -> memref<128xi32, #tpu.memory_space<vmem>>
    %dma_start3A_129 = arith.constant 0 : i32
    %dma_start3A_130 = arith.constant 0 : i32
    %dma_start3A_131 = tpu.memref_slice %arg6[%dma_start3A_129, %dma_start3A_130] : memref<1000x128xf32, #tpu.memory_space<vmem_shared>> -> memref<1000x128xf32, #tpu.memory_space<vmem_shared>>
    tpu.enqueue_indirect_dma source(%dma_start3A_131 : memref<1000x128xf32, #tpu.memory_space<vmem_shared>>) target(%arg8 : memref<128x128xf32, #tpu.memory_space<vmem>>) offsets(%dma_start3A_128 : memref<128xi32, #tpu.memory_space<vmem>>) semaphore(%arg14 : memref<!tpu.dma_semaphore, #tpu.memory_space<semaphore_mem>>)
    %scan3A = arith.constant 0 : i32
    %scan3A_132 = arith.constant 7 : i32
    %scan3A_133 = arith.addi %scan3A, %scan3A_132 : i32
    %scan3A_134 = arith.constant 1 : i32
    scf.for %scan3A_199 = %scan3A to %scan3A_133 step %scan3A_134  : i32 {
      %mul3A_200 = arith.constant 6 : i32
      %mul3A_201 = arith.muli %scan3A_199, %mul3A_200 : i32
      %add3A_202 = arith.constant 5 : i32
      %add3A_203 = arith.addi %add3A_202, %mul3A_201 : i32
      %add3A_204 = arith.constant 0 : i32
      %add3A_205 = arith.addi %add3A_203, %add3A_204 : i32
      %dma_wait3A_206 = arith.constant 0 : i32
      %dma_wait3A_207 = arith.constant 0 : i32
      %dma_wait3A_208 = tpu.memref_slice %arg5[%dma_wait3A_206, %dma_wait3A_207] : memref<50x128xi32, #tpu.memory_space<vmem>> -> memref<1x128xi32, #tpu.memory_space<vmem>>
      %dma_wait3A_209 = tpu.memref_squeeze %dma_wait3A_208 : memref<1x128xi32, #tpu.memory_space<vmem>> -> memref<128xi32, #tpu.memory_space<vmem>>
      %dma_wait3A_210 = arith.constant 0 : i32
      %dma_wait3A_211 = arith.constant 0 : i32
      %dma_wait3A_212 = tpu.memref_slice %arg6[%dma_wait3A_210, %dma_wait3A_211] : memref<1000x128xf32, #tpu.memory_space<vmem_shared>> -> memref<1000x128xf32, #tpu.memory_space<vmem_shared>>
      tpu.wait_indirect_dma semaphore(%arg18 : memref<!tpu.dma_semaphore, #tpu.memory_space<semaphore_mem>>) src(%dma_wait3A_212 : memref<1000x128xf32, #tpu.memory_space<vmem_shared>>) dst(%arg12 : memref<128x128xf32, #tpu.memory_space<vmem>>)
      %mul3A_213 = arith.constant 128 : i32
      %mul3A_214 = arith.muli %add3A_205, %mul3A_213 : i32
      %add3A_215 = arith.addi %mul3A_2, %mul3A_214 : i32
      %dma_start3A_216 = arith.constant 0 : i32
      %dma_start3A_217 = tpu.memref_slice %arg4[%add3A_215, %dma_start3A_216] : memref<204800x128xf32, #tpu.memory_space<hbm>> -> memref<128x128xf32, #tpu.memory_space<hbm>>
      %dma_start3A_218 = arith.constant 0 : i32
      %dma_start3A_219 = tpu.memref_slice %arg4[%add3A_215, %dma_start3A_218] : memref<204800x128xf32, #tpu.memory_space<hbm>> -> memref<128x128xf32, #tpu.memory_space<hbm>>
      tpu.enqueue_dma source(%arg12 : memref<128x128xf32, #tpu.memory_space<vmem>>) target(%dma_start3A_219 : memref<128x128xf32, #tpu.memory_space<hbm>>) target_semaphore(%arg24 : memref<!tpu.dma_semaphore, #tpu.memory_space<semaphore_mem>>)
      %dma_wait3A_220 = arith.constant 0 : i32
      %dma_wait3A_221 = tpu.memref_slice %arg4[%mul3A_2, %dma_wait3A_220] : memref<204800x128xf32, #tpu.memory_space<hbm>> -> memref<128x128xf32, #tpu.memory_space<hbm>>
      %dma_wait3A_222 = arith.constant 0 : i32
      %dma_wait3A_223 = tpu.memref_slice %arg4[%mul3A_2, %dma_wait3A_222] : memref<204800x128xf32, #tpu.memory_space<hbm>> -> memref<128x128xf32, #tpu.memory_space<hbm>>
      tpu.wait_dma2 semaphore(%arg21 : memref<!tpu.dma_semaphore, #tpu.memory_space<semaphore_mem>>) src(%arg9 : memref<128x128xf32, #tpu.memory_space<vmem>>) dst(%dma_wait3A_223 : memref<128x128xf32, #tpu.memory_space<hbm>>)
      %add3A_224 = arith.constant 3 : i32
      %add3A_225 = arith.addi %add3A_205, %add3A_224 : i32
      %dma_start3A_226 = arith.constant 0 : i32
      %dma_start3A_227 = tpu.memref_slice %arg5[%add3A_225, %dma_start3A_226] : memref<50x128xi32, #tpu.memory_space<vmem>> -> memref<1x128xi32, #tpu.memory_space<vmem>>
      %dma_start3A_228 = tpu.memref_squeeze %dma_start3A_227 : memref<1x128xi32, #tpu.memory_space<vmem>> -> memref<128xi32, #tpu.memory_space<vmem>>
      %dma_start3A_229 = arith.constant 0 : i32
      %dma_start3A_230 = arith.constant 0 : i32
      %dma_start3A_231 = tpu.memref_slice %arg6[%dma_start3A_229, %dma_start3A_230] : memref<1000x128xf32, #tpu.memory_space<vmem_shared>> -> memref<1000x128xf32, #tpu.memory_space<vmem_shared>>
      tpu.enqueue_indirect_dma source(%dma_start3A_231 : memref<1000x128xf32, #tpu.memory_space<vmem_shared>>) target(%arg9 : memref<128x128xf32, #tpu.memory_space<vmem>>) offsets(%dma_start3A_228 : memref<128xi32, #tpu.memory_space<vmem>>) semaphore(%arg15 : memref<!tpu.dma_semaphore, #tpu.memory_space<semaphore_mem>>)
      %add3A_232 = arith.constant 1 : i32
      %add3A_233 = arith.addi %add3A_203, %add3A_232 : i32
      %dma_wait3A_234 = arith.constant 0 : i32
      %dma_wait3A_235 = arith.constant 0 : i32
      %dma_wait3A_236 = tpu.memref_slice %arg5[%dma_wait3A_234, %dma_wait3A_235] : memref<50x128xi32, #tpu.memory_space<vmem>> -> memref<1x128xi32, #tpu.memory_space<vmem>>
      %dma_wait3A_237 = tpu.memref_squeeze %dma_wait3A_236 : memref<1x128xi32, #tpu.memory_space<vmem>> -> memref<128xi32, #tpu.memory_space<vmem>>
      %dma_wait3A_238 = arith.constant 0 : i32
      %dma_wait3A_239 = arith.constant 0 : i32
      %dma_wait3A_240 = tpu.memref_slice %arg6[%dma_wait3A_238, %dma_wait3A_239] : memref<1000x128xf32, #tpu.memory_space<vmem_shared>> -> memref<1000x128xf32, #tpu.memory_space<vmem_shared>>
      tpu.wait_indirect_dma semaphore(%arg13 : memref<!tpu.dma_semaphore, #tpu.memory_space<semaphore_mem>>) src(%dma_wait3A_240 : memref<1000x128xf32, #tpu.memory_space<vmem_shared>>) dst(%arg7 : memref<128x128xf32, #tpu.memory_space<vmem>>)
      %mul3A_241 = arith.constant 128 : i32
      %mul3A_242 = arith.muli %add3A_233, %mul3A_241 : i32
      %add3A_243 = arith.addi %mul3A_2, %mul3A_242 : i32
      %dma_start3A_244 = arith.constant 0 : i32
      %dma_start3A_245 = tpu.memref_slice %arg4[%add3A_243, %dma_start3A_244] : memref<204800x128xf32, #tpu.memory_space<hbm>> -> memref<128x128xf32, #tpu.memory_space<hbm>>
      %dma_start3A_246 = arith.constant 0 : i32
      %dma_start3A_247 = tpu.memref_slice %arg4[%add3A_243, %dma_start3A_246] : memref<204800x128xf32, #tpu.memory_space<hbm>> -> memref<128x128xf32, #tpu.memory_space<hbm>>
      tpu.enqueue_dma source(%arg7 : memref<128x128xf32, #tpu.memory_space<vmem>>) target(%dma_start3A_247 : memref<128x128xf32, #tpu.memory_space<hbm>>) target_semaphore(%arg19 : memref<!tpu.dma_semaphore, #tpu.memory_space<semaphore_mem>>)
      %dma_wait3A_248 = arith.constant 0 : i32
      %dma_wait3A_249 = tpu.memref_slice %arg4[%mul3A_2, %dma_wait3A_248] : memref<204800x128xf32, #tpu.memory_space<hbm>> -> memref<128x128xf32, #tpu.memory_space<hbm>>
      %dma_wait3A_250 = arith.constant 0 : i32
      %dma_wait3A_251 = tpu.memref_slice %arg4[%mul3A_2, %dma_wait3A_250] : memref<204800x128xf32, #tpu.memory_space<hbm>> -> memref<128x128xf32, #tpu.memory_space<hbm>>
      tpu.wait_dma2 semaphore(%arg22 : memref<!tpu.dma_semaphore, #tpu.memory_space<semaphore_mem>>) src(%arg10 : memref<128x128xf32, #tpu.memory_space<vmem>>) dst(%dma_wait3A_251 : memref<128x128xf32, #tpu.memory_space<hbm>>)
      %add3A_252 = arith.constant 3 : i32
      %add3A_253 = arith.addi %add3A_233, %add3A_252 : i32
      %dma_start3A_254 = arith.constant 0 : i32
      %dma_start3A_255 = tpu.memref_slice %arg5[%add3A_253, %dma_start3A_254] : memref<50x128xi32, #tpu.memory_space<vmem>> -> memref<1x128xi32, #tpu.memory_space<vmem>>
      %dma_start3A_256 = tpu.memref_squeeze %dma_start3A_255 : memref<1x128xi32, #tpu.memory_space<vmem>> -> memref<128xi32, #tpu.memory_space<vmem>>
      %dma_start3A_257 = arith.constant 0 : i32
      %dma_start3A_258 = arith.constant 0 : i32
      %dma_start3A_259 = tpu.memref_slice %arg6[%dma_start3A_257, %dma_start3A_258] : memref<1000x128xf32, #tpu.memory_space<vmem_shared>> -> memref<1000x128xf32, #tpu.memory_space<vmem_shared>>
      tpu.enqueue_indirect_dma source(%dma_start3A_259 : memref<1000x128xf32, #tpu.memory_space<vmem_shared>>) target(%arg10 : memref<128x128xf32, #tpu.memory_space<vmem>>) offsets(%dma_start3A_256 : memref<128xi32, #tpu.memory_space<vmem>>) semaphore(%arg16 : memref<!tpu.dma_semaphore, #tpu.memory_space<semaphore_mem>>)
      %add3A_260 = arith.constant 2 : i32
      %add3A_261 = arith.addi %add3A_203, %add3A_260 : i32
      %dma_wait3A_262 = arith.constant 0 : i32
      %dma_wait3A_263 = arith.constant 0 : i32
      %dma_wait3A_264 = tpu.memref_slice %arg5[%dma_wait3A_262, %dma_wait3A_263] : memref<50x128xi32, #tpu.memory_space<vmem>> -> memref<1x128xi32, #tpu.memory_space<vmem>>
      %dma_wait3A_265 = tpu.memref_squeeze %dma_wait3A_264 : memref<1x128xi32, #tpu.memory_space<vmem>> -> memref<128xi32, #tpu.memory_space<vmem>>
      %dma_wait3A_266 = arith.constant 0 : i32
      %dma_wait3A_267 = arith.constant 0 : i32
      %dma_wait3A_268 = tpu.memref_slice %arg6[%dma_wait3A_266, %dma_wait3A_267] : memref<1000x128xf32, #tpu.memory_space<vmem_shared>> -> memref<1000x128xf32, #tpu.memory_space<vmem_shared>>
      tpu.wait_indirect_dma semaphore(%arg14 : memref<!tpu.dma_semaphore, #tpu.memory_space<semaphore_mem>>) src(%dma_wait3A_268 : memref<1000x128xf32, #tpu.memory_space<vmem_shared>>) dst(%arg8 : memref<128x128xf32, #tpu.memory_space<vmem>>)
      %mul3A_269 = arith.constant 128 : i32
      %mul3A_270 = arith.muli %add3A_261, %mul3A_269 : i32
      %add3A_271 = arith.addi %mul3A_2, %mul3A_270 : i32
      %dma_start3A_272 = arith.constant 0 : i32
      %dma_start3A_273 = tpu.memref_slice %arg4[%add3A_271, %dma_start3A_272] : memref<204800x128xf32, #tpu.memory_space<hbm>> -> memref<128x128xf32, #tpu.memory_space<hbm>>
      %dma_start3A_274 = arith.constant 0 : i32
      %dma_start3A_275 = tpu.memref_slice %arg4[%add3A_271, %dma_start3A_274] : memref<204800x128xf32, #tpu.memory_space<hbm>> -> memref<128x128xf32, #tpu.memory_space<hbm>>
      tpu.enqueue_dma source(%arg8 : memref<128x128xf32, #tpu.memory_space<vmem>>) target(%dma_start3A_275 : memref<128x128xf32, #tpu.memory_space<hbm>>) target_semaphore(%arg20 : memref<!tpu.dma_semaphore, #tpu.memory_space<semaphore_mem>>)
      %dma_wait3A_276 = arith.constant 0 : i32
      %dma_wait3A_277 = tpu.memref_slice %arg4[%mul3A_2, %dma_wait3A_276] : memref<204800x128xf32, #tpu.memory_space<hbm>> -> memref<128x128xf32, #tpu.memory_space<hbm>>
      %dma_wait3A_278 = arith.constant 0 : i32
      %dma_wait3A_279 = tpu.memref_slice %arg4[%mul3A_2, %dma_wait3A_278] : memref<204800x128xf32, #tpu.memory_space<hbm>> -> memref<128x128xf32, #tpu.memory_space<hbm>>
      tpu.wait_dma2 semaphore(%arg23 : memref<!tpu.dma_semaphore, #tpu.memory_space<semaphore_mem>>) src(%arg11 : memref<128x128xf32, #tpu.memory_space<vmem>>) dst(%dma_wait3A_279 : memref<128x128xf32, #tpu.memory_space<hbm>>)
      %add3A_280 = arith.constant 3 : i32
      %add3A_281 = arith.addi %add3A_261, %add3A_280 : i32
      %dma_start3A_282 = arith.constant 0 : i32
      %dma_start3A_283 = tpu.memref_slice %arg5[%add3A_281, %dma_start3A_282] : memref<50x128xi32, #tpu.memory_space<vmem>> -> memref<1x128xi32, #tpu.memory_space<vmem>>
      %dma_start3A_284 = tpu.memref_squeeze %dma_start3A_283 : memref<1x128xi32, #tpu.memory_space<vmem>> -> memref<128xi32, #tpu.memory_space<vmem>>
      %dma_start3A_285 = arith.constant 0 : i32
      %dma_start3A_286 = arith.constant 0 : i32
      %dma_start3A_287 = tpu.memref_slice %arg6[%dma_start3A_285, %dma_start3A_286] : memref<1000x128xf32, #tpu.memory_space<vmem_shared>> -> memref<1000x128xf32, #tpu.memory_space<vmem_shared>>
      tpu.enqueue_indirect_dma source(%dma_start3A_287 : memref<1000x128xf32, #tpu.memory_space<vmem_shared>>) target(%arg11 : memref<128x128xf32, #tpu.memory_space<vmem>>) offsets(%dma_start3A_284 : memref<128xi32, #tpu.memory_space<vmem>>) semaphore(%arg17 : memref<!tpu.dma_semaphore, #tpu.memory_space<semaphore_mem>>)
      %add3A_288 = arith.constant 3 : i32
      %add3A_289 = arith.addi %add3A_203, %add3A_288 : i32
      %dma_wait3A_290 = arith.constant 0 : i32
      %dma_wait3A_291 = arith.constant 0 : i32
      %dma_wait3A_292 = tpu.memref_slice %arg5[%dma_wait3A_290, %dma_wait3A_291] : memref<50x128xi32, #tpu.memory_space<vmem>> -> memref<1x128xi32, #tpu.memory_space<vmem>>
      %dma_wait3A_293 = tpu.memref_squeeze %dma_wait3A_292 : memref<1x128xi32, #tpu.memory_space<vmem>> -> memref<128xi32, #tpu.memory_space<vmem>>
      %dma_wait3A_294 = arith.constant 0 : i32
      %dma_wait3A_295 = arith.constant 0 : i32
      %dma_wait3A_296 = tpu.memref_slice %arg6[%dma_wait3A_294, %dma_wait3A_295] : memref<1000x128xf32, #tpu.memory_space<vmem_shared>> -> memref<1000x128xf32, #tpu.memory_space<vmem_shared>>
      tpu.wait_indirect_dma semaphore(%arg15 : memref<!tpu.dma_semaphore, #tpu.memory_space<semaphore_mem>>) src(%dma_wait3A_296 : memref<1000x128xf32, #tpu.memory_space<vmem_shared>>) dst(%arg9 : memref<128x128xf32, #tpu.memory_space<vmem>>)
      %mul3A_297 = arith.constant 128 : i32
      %mul3A_298 = arith.muli %add3A_289, %mul3A_297 : i32
      %add3A_299 = arith.addi %mul3A_2, %mul3A_298 : i32
      %dma_start3A_300 = arith.constant 0 : i32
      %dma_start3A_301 = tpu.memref_slice %arg4[%add3A_299, %dma_start3A_300] : memref<204800x128xf32, #tpu.memory_space<hbm>> -> memref<128x128xf32, #tpu.memory_space<hbm>>
      %dma_start3A_302 = arith.constant 0 : i32
      %dma_start3A_303 = tpu.memref_slice %arg4[%add3A_299, %dma_start3A_302] : memref<204800x128xf32, #tpu.memory_space<hbm>> -> memref<128x128xf32, #tpu.memory_space<hbm>>
      tpu.enqueue_dma source(%arg9 : memref<128x128xf32, #tpu.memory_space<vmem>>) target(%dma_start3A_303 : memref<128x128xf32, #tpu.memory_space<hbm>>) target_semaphore(%arg21 : memref<!tpu.dma_semaphore, #tpu.memory_space<semaphore_mem>>)
      %dma_wait3A_304 = arith.constant 0 : i32
      %dma_wait3A_305 = tpu.memref_slice %arg4[%mul3A_2, %dma_wait3A_304] : memref<204800x128xf32, #tpu.memory_space<hbm>> -> memref<128x128xf32, #tpu.memory_space<hbm>>
      %dma_wait3A_306 = arith.constant 0 : i32
      %dma_wait3A_307 = tpu.memref_slice %arg4[%mul3A_2, %dma_wait3A_306] : memref<204800x128xf32, #tpu.memory_space<hbm>> -> memref<128x128xf32, #tpu.memory_space<hbm>>
      tpu.wait_dma2 semaphore(%arg24 : memref<!tpu.dma_semaphore, #tpu.memory_space<semaphore_mem>>) src(%arg12 : memref<128x128xf32, #tpu.memory_space<vmem>>) dst(%dma_wait3A_307 : memref<128x128xf32, #tpu.memory_space<hbm>>)
      %add3A_308 = arith.constant 3 : i32
      %add3A_309 = arith.addi %add3A_289, %add3A_308 : i32
      %dma_start3A_310 = arith.constant 0 : i32
      %dma_start3A_311 = tpu.memref_slice %arg5[%add3A_309, %dma_start3A_310] : memref<50x128xi32, #tpu.memory_space<vmem>> -> memref<1x128xi32, #tpu.memory_space<vmem>>
      %dma_start3A_312 = tpu.memref_squeeze %dma_start3A_311 : memref<1x128xi32, #tpu.memory_space<vmem>> -> memref<128xi32, #tpu.memory_space<vmem>>
      %dma_start3A_313 = arith.constant 0 : i32
      %dma_start3A_314 = arith.constant 0 : i32
      %dma_start3A_315 = tpu.memref_slice %arg6[%dma_start3A_313, %dma_start3A_314] : memref<1000x128xf32, #tpu.memory_space<vmem_shared>> -> memref<1000x128xf32, #tpu.memory_space<vmem_shared>>
      tpu.enqueue_indirect_dma source(%dma_start3A_315 : memref<1000x128xf32, #tpu.memory_space<vmem_shared>>) target(%arg12 : memref<128x128xf32, #tpu.memory_space<vmem>>) offsets(%dma_start3A_312 : memref<128xi32, #tpu.memory_space<vmem>>) semaphore(%arg18 : memref<!tpu.dma_semaphore, #tpu.memory_space<semaphore_mem>>)
      %add3A_316 = arith.constant 4 : i32
      %add3A_317 = arith.addi %add3A_203, %add3A_316 : i32
      %dma_wait3A_318 = arith.constant 0 : i32
      %dma_wait3A_319 = arith.constant 0 : i32
      %dma_wait3A_320 = tpu.memref_slice %arg5[%dma_wait3A_318, %dma_wait3A_319] : memref<50x128xi32, #tpu.memory_space<vmem>> -> memref<1x128xi32, #tpu.memory_space<vmem>>
      %dma_wait3A_321 = tpu.memref_squeeze %dma_wait3A_320 : memref<1x128xi32, #tpu.memory_space<vmem>> -> memref<128xi32, #tpu.memory_space<vmem>>
      %dma_wait3A_322 = arith.constant 0 : i32
      %dma_wait3A_323 = arith.constant 0 : i32
      %dma_wait3A_324 = tpu.memref_slice %arg6[%dma_wait3A_322, %dma_wait3A_323] : memref<1000x128xf32, #tpu.memory_space<vmem_shared>> -> memref<1000x128xf32, #tpu.memory_space<vmem_shared>>
      tpu.wait_indirect_dma semaphore(%arg16 : memref<!tpu.dma_semaphore, #tpu.memory_space<semaphore_mem>>) src(%dma_wait3A_324 : memref<1000x128xf32, #tpu.memory_space<vmem_shared>>) dst(%arg10 : memref<128x128xf32, #tpu.memory_space<vmem>>)
      %mul3A_325 = arith.constant 128 : i32
      %mul3A_326 = arith.muli %add3A_317, %mul3A_325 : i32
      %add3A_327 = arith.addi %mul3A_2, %mul3A_326 : i32
      %dma_start3A_328 = arith.constant 0 : i32
      %dma_start3A_329 = tpu.memref_slice %arg4[%add3A_327, %dma_start3A_328] : memref<204800x128xf32, #tpu.memory_space<hbm>> -> memref<128x128xf32, #tpu.memory_space<hbm>>
      %dma_start3A_330 = arith.constant 0 : i32
      %dma_start3A_331 = tpu.memref_slice %arg4[%add3A_327, %dma_start3A_330] : memref<204800x128xf32, #tpu.memory_space<hbm>> -> memref<128x128xf32, #tpu.memory_space<hbm>>
      tpu.enqueue_dma source(%arg10 : memref<128x128xf32, #tpu.memory_space<vmem>>) target(%dma_start3A_331 : memref<128x128xf32, #tpu.memory_space<hbm>>) target_semaphore(%arg22 : memref<!tpu.dma_semaphore, #tpu.memory_space<semaphore_mem>>)
      %dma_wait3A_332 = arith.constant 0 : i32
      %dma_wait3A_333 = tpu.memref_slice %arg4[%mul3A_2, %dma_wait3A_332] : memref<204800x128xf32, #tpu.memory_space<hbm>> -> memref<128x128xf32, #tpu.memory_space<hbm>>
      %dma_wait3A_334 = arith.constant 0 : i32
      %dma_wait3A_335 = tpu.memref_slice %arg4[%mul3A_2, %dma_wait3A_334] : memref<204800x128xf32, #tpu.memory_space<hbm>> -> memref<128x128xf32, #tpu.memory_space<hbm>>
      tpu.wait_dma2 semaphore(%arg19 : memref<!tpu.dma_semaphore, #tpu.memory_space<semaphore_mem>>) src(%arg7 : memref<128x128xf32, #tpu.memory_space<vmem>>) dst(%dma_wait3A_335 : memref<128x128xf32, #tpu.memory_space<hbm>>)
      %add3A_336 = arith.constant 3 : i32
      %add3A_337 = arith.addi %add3A_317, %add3A_336 : i32
      %dma_start3A_338 = arith.constant 0 : i32
      %dma_start3A_339 = tpu.memref_slice %arg5[%add3A_337, %dma_start3A_338] : memref<50x128xi32, #tpu.memory_space<vmem>> -> memref<1x128xi32, #tpu.memory_space<vmem>>
      %dma_start3A_340 = tpu.memref_squeeze %dma_start3A_339 : memref<1x128xi32, #tpu.memory_space<vmem>> -> memref<128xi32, #tpu.memory_space<vmem>>
      %dma_start3A_341 = arith.constant 0 : i32
      %dma_start3A_342 = arith.constant 0 : i32
      %dma_start3A_343 = tpu.memref_slice %arg6[%dma_start3A_341, %dma_start3A_342] : memref<1000x128xf32, #tpu.memory_space<vmem_shared>> -> memref<1000x128xf32, #tpu.memory_space<vmem_shared>>
      tpu.enqueue_indirect_dma source(%dma_start3A_343 : memref<1000x128xf32, #tpu.memory_space<vmem_shared>>) target(%arg7 : memref<128x128xf32, #tpu.memory_space<vmem>>) offsets(%dma_start3A_340 : memref<128xi32, #tpu.memory_space<vmem>>) semaphore(%arg13 : memref<!tpu.dma_semaphore, #tpu.memory_space<semaphore_mem>>)
      %add3A_344 = arith.constant 5 : i32
      %add3A_345 = arith.addi %add3A_203, %add3A_344 : i32
      %dma_wait3A_346 = arith.constant 0 : i32
      %dma_wait3A_347 = arith.constant 0 : i32
      %dma_wait3A_348 = tpu.memref_slice %arg5[%dma_wait3A_346, %dma_wait3A_347] : memref<50x128xi32, #tpu.memory_space<vmem>> -> memref<1x128xi32, #tpu.memory_space<vmem>>
      %dma_wait3A_349 = tpu.memref_squeeze %dma_wait3A_348 : memref<1x128xi32, #tpu.memory_space<vmem>> -> memref<128xi32, #tpu.memory_space<vmem>>
      %dma_wait3A_350 = arith.constant 0 : i32
      %dma_wait3A_351 = arith.constant 0 : i32
      %dma_wait3A_352 = tpu.memref_slice %arg6[%dma_wait3A_350, %dma_wait3A_351] : memref<1000x128xf32, #tpu.memory_space<vmem_shared>> -> memref<1000x128xf32, #tpu.memory_space<vmem_shared>>
      tpu.wait_indirect_dma semaphore(%arg17 : memref<!tpu.dma_semaphore, #tpu.memory_space<semaphore_mem>>) src(%dma_wait3A_352 : memref<1000x128xf32, #tpu.memory_space<vmem_shared>>) dst(%arg11 : memref<128x128xf32, #tpu.memory_space<vmem>>)
      %mul3A_353 = arith.constant 128 : i32
      %mul3A_354 = arith.muli %add3A_345, %mul3A_353 : i32
      %add3A_355 = arith.addi %mul3A_2, %mul3A_354 : i32
      %dma_start3A_356 = arith.constant 0 : i32
      %dma_start3A_357 = tpu.memref_slice %arg4[%add3A_355, %dma_start3A_356] : memref<204800x128xf32, #tpu.memory_space<hbm>> -> memref<128x128xf32, #tpu.memory_space<hbm>>
      %dma_start3A_358 = arith.constant 0 : i32
      %dma_start3A_359 = tpu.memref_slice %arg4[%add3A_355, %dma_start3A_358] : memref<204800x128xf32, #tpu.memory_space<hbm>> -> memref<128x128xf32, #tpu.memory_space<hbm>>
      tpu.enqueue_dma source(%arg11 : memref<128x128xf32, #tpu.memory_space<vmem>>) target(%dma_start3A_359 : memref<128x128xf32, #tpu.memory_space<hbm>>) target_semaphore(%arg23 : memref<!tpu.dma_semaphore, #tpu.memory_space<semaphore_mem>>)
      %dma_wait3A_360 = arith.constant 0 : i32
      %dma_wait3A_361 = tpu.memref_slice %arg4[%mul3A_2, %dma_wait3A_360] : memref<204800x128xf32, #tpu.memory_space<hbm>> -> memref<128x128xf32, #tpu.memory_space<hbm>>
      %dma_wait3A_362 = arith.constant 0 : i32
      %dma_wait3A_363 = tpu.memref_slice %arg4[%mul3A_2, %dma_wait3A_362] : memref<204800x128xf32, #tpu.memory_space<hbm>> -> memref<128x128xf32, #tpu.memory_space<hbm>>
      tpu.wait_dma2 semaphore(%arg20 : memref<!tpu.dma_semaphore, #tpu.memory_space<semaphore_mem>>) src(%arg8 : memref<128x128xf32, #tpu.memory_space<vmem>>) dst(%dma_wait3A_363 : memref<128x128xf32, #tpu.memory_space<hbm>>)
      %add3A_364 = arith.constant 3 : i32
      %add3A_365 = arith.addi %add3A_345, %add3A_364 : i32
      %dma_start3A_366 = arith.constant 0 : i32
      %dma_start3A_367 = tpu.memref_slice %arg5[%add3A_365, %dma_start3A_366] : memref<50x128xi32, #tpu.memory_space<vmem>> -> memref<1x128xi32, #tpu.memory_space<vmem>>
      %dma_start3A_368 = tpu.memref_squeeze %dma_start3A_367 : memref<1x128xi32, #tpu.memory_space<vmem>> -> memref<128xi32, #tpu.memory_space<vmem>>
      %dma_start3A_369 = arith.constant 0 : i32
      %dma_start3A_370 = arith.constant 0 : i32
      %dma_start3A_371 = tpu.memref_slice %arg6[%dma_start3A_369, %dma_start3A_370] : memref<1000x128xf32, #tpu.memory_space<vmem_shared>> -> memref<1000x128xf32, #tpu.memory_space<vmem_shared>>
      tpu.enqueue_indirect_dma source(%dma_start3A_371 : memref<1000x128xf32, #tpu.memory_space<vmem_shared>>) target(%arg8 : memref<128x128xf32, #tpu.memory_space<vmem>>) offsets(%dma_start3A_368 : memref<128xi32, #tpu.memory_space<vmem>>) semaphore(%arg14 : memref<!tpu.dma_semaphore, #tpu.memory_space<semaphore_mem>>)
    }
    %scan3A_135 = arith.constant 7 : i32
    %dma_wait3A_136 = arith.constant 0 : i32
    %dma_wait3A_137 = arith.constant 0 : i32
    %dma_wait3A_138 = tpu.memref_slice %arg5[%dma_wait3A_136, %dma_wait3A_137] : memref<50x128xi32, #tpu.memory_space<vmem>> -> memref<1x128xi32, #tpu.memory_space<vmem>>
    %dma_wait3A_139 = tpu.memref_squeeze %dma_wait3A_138 : memref<1x128xi32, #tpu.memory_space<vmem>> -> memref<128xi32, #tpu.memory_space<vmem>>
    %dma_wait3A_140 = arith.constant 0 : i32
    %dma_wait3A_141 = arith.constant 0 : i32
    %dma_wait3A_142 = tpu.memref_slice %arg6[%dma_wait3A_140, %dma_wait3A_141] : memref<1000x128xf32, #tpu.memory_space<vmem_shared>> -> memref<1000x128xf32, #tpu.memory_space<vmem_shared>>
    tpu.wait_indirect_dma semaphore(%arg18 : memref<!tpu.dma_semaphore, #tpu.memory_space<semaphore_mem>>) src(%dma_wait3A_142 : memref<1000x128xf32, #tpu.memory_space<vmem_shared>>) dst(%arg12 : memref<128x128xf32, #tpu.memory_space<vmem>>)
    %add3A_143 = arith.constant 6016 : i32
    %add3A_144 = arith.addi %mul3A_2, %add3A_143 : i32
    %dma_start3A_145 = arith.constant 0 : i32
    %dma_start3A_146 = tpu.memref_slice %arg4[%add3A_144, %dma_start3A_145] : memref<204800x128xf32, #tpu.memory_space<hbm>> -> memref<128x128xf32, #tpu.memory_space<hbm>>
    %dma_start3A_147 = arith.constant 0 : i32
    %dma_start3A_148 = tpu.memref_slice %arg4[%add3A_144, %dma_start3A_147] : memref<204800x128xf32, #tpu.memory_space<hbm>> -> memref<128x128xf32, #tpu.memory_space<hbm>>
    tpu.enqueue_dma source(%arg12 : memref<128x128xf32, #tpu.memory_space<vmem>>) target(%dma_start3A_148 : memref<128x128xf32, #tpu.memory_space<hbm>>) target_semaphore(%arg24 : memref<!tpu.dma_semaphore, #tpu.memory_space<semaphore_mem>>)
    %dma_wait3A_149 = arith.constant 0 : i32
    %dma_wait3A_150 = tpu.memref_slice %arg4[%mul3A_2, %dma_wait3A_149] : memref<204800x128xf32, #tpu.memory_space<hbm>> -> memref<128x128xf32, #tpu.memory_space<hbm>>
    %dma_wait3A_151 = arith.constant 0 : i32
    %dma_wait3A_152 = tpu.memref_slice %arg4[%mul3A_2, %dma_wait3A_151] : memref<204800x128xf32, #tpu.memory_space<hbm>> -> memref<128x128xf32, #tpu.memory_space<hbm>>
    tpu.wait_dma2 semaphore(%arg21 : memref<!tpu.dma_semaphore, #tpu.memory_space<semaphore_mem>>) src(%arg9 : memref<128x128xf32, #tpu.memory_space<vmem>>) dst(%dma_wait3A_152 : memref<128x128xf32, #tpu.memory_space<hbm>>)
    %dma_wait3A_153 = arith.constant 0 : i32
    %dma_wait3A_154 = arith.constant 0 : i32
    %dma_wait3A_155 = tpu.memref_slice %arg5[%dma_wait3A_153, %dma_wait3A_154] : memref<50x128xi32, #tpu.memory_space<vmem>> -> memref<1x128xi32, #tpu.memory_space<vmem>>
    %dma_wait3A_156 = tpu.memref_squeeze %dma_wait3A_155 : memref<1x128xi32, #tpu.memory_space<vmem>> -> memref<128xi32, #tpu.memory_space<vmem>>
    %dma_wait3A_157 = arith.constant 0 : i32
    %dma_wait3A_158 = arith.constant 0 : i32
    %dma_wait3A_159 = tpu.memref_slice %arg6[%dma_wait3A_157, %dma_wait3A_158] : memref<1000x128xf32, #tpu.memory_space<vmem_shared>> -> memref<1000x128xf32, #tpu.memory_space<vmem_shared>>
    tpu.wait_indirect_dma semaphore(%arg13 : memref<!tpu.dma_semaphore, #tpu.memory_space<semaphore_mem>>) src(%dma_wait3A_159 : memref<1000x128xf32, #tpu.memory_space<vmem_shared>>) dst(%arg7 : memref<128x128xf32, #tpu.memory_space<vmem>>)
    %add3A_160 = arith.constant 6144 : i32
    %add3A_161 = arith.addi %mul3A_2, %add3A_160 : i32
    %dma_start3A_162 = arith.constant 0 : i32
    %dma_start3A_163 = tpu.memref_slice %arg4[%add3A_161, %dma_start3A_162] : memref<204800x128xf32, #tpu.memory_space<hbm>> -> memref<128x128xf32, #tpu.memory_space<hbm>>
    %dma_start3A_164 = arith.constant 0 : i32
    %dma_start3A_165 = tpu.memref_slice %arg4[%add3A_161, %dma_start3A_164] : memref<204800x128xf32, #tpu.memory_space<hbm>> -> memref<128x128xf32, #tpu.memory_space<hbm>>
    tpu.enqueue_dma source(%arg7 : memref<128x128xf32, #tpu.memory_space<vmem>>) target(%dma_start3A_165 : memref<128x128xf32, #tpu.memory_space<hbm>>) target_semaphore(%arg19 : memref<!tpu.dma_semaphore, #tpu.memory_space<semaphore_mem>>)
    %dma_wait3A_166 = arith.constant 0 : i32
    %dma_wait3A_167 = tpu.memref_slice %arg4[%mul3A_2, %dma_wait3A_166] : memref<204800x128xf32, #tpu.memory_space<hbm>> -> memref<128x128xf32, #tpu.memory_space<hbm>>
    %dma_wait3A_168 = arith.constant 0 : i32
    %dma_wait3A_169 = tpu.memref_slice %arg4[%mul3A_2, %dma_wait3A_168] : memref<204800x128xf32, #tpu.memory_space<hbm>> -> memref<128x128xf32, #tpu.memory_space<hbm>>
    tpu.wait_dma2 semaphore(%arg22 : memref<!tpu.dma_semaphore, #tpu.memory_space<semaphore_mem>>) src(%arg10 : memref<128x128xf32, #tpu.memory_space<vmem>>) dst(%dma_wait3A_169 : memref<128x128xf32, #tpu.memory_space<hbm>>)
    %dma_wait3A_170 = arith.constant 0 : i32
    %dma_wait3A_171 = arith.constant 0 : i32
    %dma_wait3A_172 = tpu.memref_slice %arg5[%dma_wait3A_170, %dma_wait3A_171] : memref<50x128xi32, #tpu.memory_space<vmem>> -> memref<1x128xi32, #tpu.memory_space<vmem>>
    %dma_wait3A_173 = tpu.memref_squeeze %dma_wait3A_172 : memref<1x128xi32, #tpu.memory_space<vmem>> -> memref<128xi32, #tpu.memory_space<vmem>>
    %dma_wait3A_174 = arith.constant 0 : i32
    %dma_wait3A_175 = arith.constant 0 : i32
    %dma_wait3A_176 = tpu.memref_slice %arg6[%dma_wait3A_174, %dma_wait3A_175] : memref<1000x128xf32, #tpu.memory_space<vmem_shared>> -> memref<1000x128xf32, #tpu.memory_space<vmem_shared>>
    tpu.wait_indirect_dma semaphore(%arg14 : memref<!tpu.dma_semaphore, #tpu.memory_space<semaphore_mem>>) src(%dma_wait3A_176 : memref<1000x128xf32, #tpu.memory_space<vmem_shared>>) dst(%arg8 : memref<128x128xf32, #tpu.memory_space<vmem>>)
    %add3A_177 = arith.constant 6272 : i32
    %add3A_178 = arith.addi %mul3A_2, %add3A_177 : i32
    %dma_start3A_179 = arith.constant 0 : i32
    %dma_start3A_180 = tpu.memref_slice %arg4[%add3A_178, %dma_start3A_179] : memref<204800x128xf32, #tpu.memory_space<hbm>> -> memref<128x128xf32, #tpu.memory_space<hbm>>
    %dma_start3A_181 = arith.constant 0 : i32
    %dma_start3A_182 = tpu.memref_slice %arg4[%add3A_178, %dma_start3A_181] : memref<204800x128xf32, #tpu.memory_space<hbm>> -> memref<128x128xf32, #tpu.memory_space<hbm>>
    tpu.enqueue_dma source(%arg8 : memref<128x128xf32, #tpu.memory_space<vmem>>) target(%dma_start3A_182 : memref<128x128xf32, #tpu.memory_space<hbm>>) target_semaphore(%arg20 : memref<!tpu.dma_semaphore, #tpu.memory_space<semaphore_mem>>)
    %dma_wait3A_183 = arith.constant 0 : i32
    %dma_wait3A_184 = tpu.memref_slice %arg4[%mul3A_2, %dma_wait3A_183] : memref<204800x128xf32, #tpu.memory_space<hbm>> -> memref<128x128xf32, #tpu.memory_space<hbm>>
    %dma_wait3A_185 = arith.constant 0 : i32
    %dma_wait3A_186 = tpu.memref_slice %arg4[%mul3A_2, %dma_wait3A_185] : memref<204800x128xf32, #tpu.memory_space<hbm>> -> memref<128x128xf32, #tpu.memory_space<hbm>>
    tpu.wait_dma2 semaphore(%arg23 : memref<!tpu.dma_semaphore, #tpu.memory_space<semaphore_mem>>) src(%arg11 : memref<128x128xf32, #tpu.memory_space<vmem>>) dst(%dma_wait3A_186 : memref<128x128xf32, #tpu.memory_space<hbm>>)
    %dma_wait3A_187 = arith.constant 0 : i32
    %dma_wait3A_188 = tpu.memref_slice %arg4[%mul3A_2, %dma_wait3A_187] : memref<204800x128xf32, #tpu.memory_space<hbm>> -> memref<128x128xf32, #tpu.memory_space<hbm>>
    %dma_wait3A_189 = arith.constant 0 : i32
    %dma_wait3A_190 = tpu.memref_slice %arg4[%mul3A_2, %dma_wait3A_189] : memref<204800x128xf32, #tpu.memory_space<hbm>> -> memref<128x128xf32, #tpu.memory_space<hbm>>
    tpu.wait_dma2 semaphore(%arg24 : memref<!tpu.dma_semaphore, #tpu.memory_space<semaphore_mem>>) src(%arg12 : memref<128x128xf32, #tpu.memory_space<vmem>>) dst(%dma_wait3A_190 : memref<128x128xf32, #tpu.memory_space<hbm>>)
    %dma_wait3A_191 = arith.constant 0 : i32
    %dma_wait3A_192 = tpu.memref_slice %arg4[%mul3A_2, %dma_wait3A_191] : memref<204800x128xf32, #tpu.memory_space<hbm>> -> memref<128x128xf32, #tpu.memory_space<hbm>>
    %dma_wait3A_193 = arith.constant 0 : i32
    %dma_wait3A_194 = tpu.memref_slice %arg4[%mul3A_2, %dma_wait3A_193] : memref<204800x128xf32, #tpu.memory_space<hbm>> -> memref<128x128xf32, #tpu.memory_space<hbm>>
    tpu.wait_dma2 semaphore(%arg19 : memref<!tpu.dma_semaphore, #tpu.memory_space<semaphore_mem>>) src(%arg7 : memref<128x128xf32, #tpu.memory_space<vmem>>) dst(%dma_wait3A_194 : memref<128x128xf32, #tpu.memory_space<hbm>>)
    %dma_wait3A_195 = arith.constant 0 : i32
    %dma_wait3A_196 = tpu.memref_slice %arg4[%mul3A_2, %dma_wait3A_195] : memref<204800x128xf32, #tpu.memory_space<hbm>> -> memref<128x128xf32, #tpu.memory_space<hbm>>
    %dma_wait3A_197 = arith.constant 0 : i32
    %dma_wait3A_198 = tpu.memref_slice %arg4[%mul3A_2, %dma_wait3A_197] : memref<204800x128xf32, #tpu.memory_space<hbm>> -> memref<128x128xf32, #tpu.memory_space<hbm>>
    tpu.wait_dma2 semaphore(%arg20 : memref<!tpu.dma_semaphore, #tpu.memory_space<semaphore_mem>>) src(%arg8 : memref<128x128xf32, #tpu.memory_space<vmem>>) dst(%dma_wait3A_198 : memref<128x128xf32, #tpu.memory_space<hbm>>)
    return
  }
}

</mosaic_0001>

<sc_bundles>
// kernel: _gather_rows.3.cloned.1.call-start
scs
__scs_entry_jumppad:
0x0: {  	(pc) =	sbr.rel $0x88, $3  }
0x1: {  	(tag) =	ssettag $0x0;
	lr =	simm.s32 $0x1  }
0x2: {  	[smem:$0x3F9F] =	sst lr;
	_ =	strace $0xD0000000  }
0x3: {  	_ = 	snop  }
0x4: {  	_ = 	snop  }
0x5: {  	_ = 	snop  }
0x6: {  	_ = 	snop  }
0x7: {  	_ = 	snop  }
__scs_overlays_trampoline_lowered:
0x8: {  	[smem:$0x3FAE] =	sst s0  }
0x9: {  	[smem:$0x3FAF] =	sst s1  }
0xa: {  	[smem:$0x3FB0] =	sst s2  }
0xb: {  	[smem:$0x3FB1] =	sst s3  }
0xc: {  	[smem:$0x3FB2] =	sst s4  }
0xd: {  	[smem:$0x3FB3] =	sst s5  }
0xe: {  	[smem:$0x3FB4] =	sst s6  }
0xf: {  	[smem:$0x3FB5] =	sst s7  }
0x10: {  	[smem:$0x3FB6] =	sst s8  }
0x11: {  	[smem:$0x3FB7] =	sst s9;
	s0 =	simm.s32 @!p0 $0x0  }
0x12: {  	s1 =	sld [smem:$0x3F9D];
	s0 =	simm.s32 @p0 $0x1  }
0x13: {  	[smem:$0x3FB8] =	sst s0;
	s0 =	simm.s32 @!p1 $0x0  }
0x14: {  	s2 =	sld [smem:$0x3F9C];
	s0 =	simm.s32 @p1 $0x1  }
0x15: {  	[smem:$0x3FB9] =	sst s0;
	s0 =	simm.s32 @!p2 $0x0  }
0x16: {  	s3 =	sld [smem:$0x3FDB];
	s0 =	simm.s32 @p2 $0x1  }
0x17: {  	s4 =	simm.s32 $0x1BF5;
	[smem:$0x3FBB] =	sst s0  }
0x18: {  	s0 =	sld [smem:$0x3F9E];
	_ =	swait.ge [sflag:s4], $0x0  }
0x19: {  	s7 =	sld [smem:$0x3F9F]  }
0x1a: {  	s8 =	sadd.s32 $0xFFFFE003, lr  }
0x1b: {  	s9 =	sadd.s32 $0xFFFFFEF7, lr;
	s5 =	simm.s32 $0xFFFFFFFF;
	p2 =	slt.u32 s8, $0xFFFFF086  }
0x1c: {  	p1 =	slt.u32 s9, $0xF7A;
	s5 =	simm.s32 @!p2 $0x0  }
0x1d: {  	s5 =	simm.s32 @p1 $0x1;
	p0 =	seq.s32 s7, s2  }
0x1e: {  	s7 =	smul.u32 @!p0 $0xF7A, s2;
	p2 =	seq.s32 @!p0 s5, $0x0  }
0x1f: {  	s9 =	smul.u32 $0xF7A, s1;
	s8 =	simm.s32 @!p0 $0x1BF5;
	p2 =	por !p2, p0  }
0x20: {  	[sflag:s8] =	ssyncset.s32 @!p0 $0xFFFFF086;
	s6 =	sadd.s32 @!p0 s3, s7;
	s7 =	simm.s32 @!p0 $0x108  }
0x21: {  	s3 =	sadd.s32 s3, s9;
	s6 =	sadd.s32 @!p0 $0x88, s6;
	s7 =	simm.s32 @p2 $0x1082  }
0x22: {  	[simem:s7], [sflag:s8] =	dma.local @!p0 [hbm:s6], $0xF7A  }
0x23: {  	s9 =	sor.u32 $0xD0000000, s2;
	s6 =	simm.s32 $0x108;
	_ =	swait.ge @!p0 [sflag:s8], $0x0  }
0x24: {  	s3 =	sadd.s32 $0x88, s3;
	s6 =	simm.s32 @!p1 $0x1082;
	[sflag:s4] =	ssyncset.s32 $0xFFFFF086  }
0x25: {  	[simem:s6], [sflag:s4] =	dma.local [hbm:s3], $0xF7A  }
0x26: {  	[smem:$0x3F9F] =	sst s1;
	(tag) =	ssettag s2;
	_ =	strace s9  }
0x27: {  	s1 =	sld [smem:$0x3FAF]  }
0x28: {  	s2 =	sld [smem:$0x3FB0]  }
0x29: {  	s4 =	sld [smem:$0x3FB2]  }
0x2a: {  	p0 =	seq.s32 s5, $0x0;
	s5 =	sld [smem:$0x3FB3]  }
0x2b: {  	s6 =	sld [smem:$0x3FB4]  }
0x2c: {  	s7 =	sld [smem:$0x3FB5]  }
0x2d: {  	s3 =	simm.s32 $0x108;
	s8 =	sld [smem:$0x3FB6]  }
0x2e: {  	s3 =	simm.s32 @!p0 $0x1082;
	s9 =	sld [smem:$0x3FB7]  }
0x2f: {  	lr =	sadd.s32 s0, s3;
	s0 =	sld [smem:$0x3FAE]  }
0x30: {  	s3 =	sld [smem:$0x3FB1]  }
0x31: {  	[smem:$0x3FBA] =	sst s10  }
0x32: {  	s10 =	sld [smem:$0x3FB8];
	_ =	sdelay $0x3  }
0x33: {  	p0 =	seq.s32 s10, $0x1;
	s10 =	sld [smem:$0x3FBA];
	_ =	sdelay $0x3  }
0x34: {  	[smem:$0x3FBA] =	sst s10  }
0x35: {  	s10 =	sld [smem:$0x3FB9];
	_ =	sdelay $0x3  }
0x36: {  	p1 =	seq.s32 s10, $0x1;
	s10 =	sld [smem:$0x3FBA];
	_ =	sdelay $0x3  }
0x37: {  	[smem:$0x3FBA] =	sst s10  }
0x38: {  	s10 =	sld [smem:$0x3FBB]  }
0x39: {  	_ = 	snop;
	(pc) =	sbr.ind lr, $3  }
0x3a: {  	_ = 	snop  }
0x3b: {  	_ = 	snop  }
0x3c: {  	p2 =	seq.s32 s10, $0x1;
	s10 =	sld [smem:$0x3FBA]  }
0x3d: {  	_ =	shalt  }
0x3e: {  	_ =	shalt  }
0x3f: {  	_ =	shalt  }
0x40: {  	_ =	shalt  }
0x41: {  	_ =	shalt  }
0x42: {  	_ =	shalt  }
0x43: {  	_ =	shalt  }
0x44: {  	_ =	shalt  }
0x45: {  	_ =	shalt  }
0x46: {  	_ =	shalt  }
0x47: {  	_ =	shalt  }
0x48: {  	_ =	shalt  }
0x49: {  	_ =	shalt  }
0x4a: {  	_ =	shalt  }
0x4b: {  	_ =	shalt  }
0x4c: {  	_ =	shalt  }
0x4d: {  	_ =	shalt  }
0x4e: {  	_ =	shalt  }
0x4f: {  	_ =	shalt  }
0x50: {  	_ =	shalt  }
0x51: {  	_ =	shalt  }
0x52: {  	_ =	shalt  }
0x53: {  	_ =	shalt  }
0x54: {  	_ =	shalt  }
0x55: {  	_ =	shalt  }
0x56: {  	_ =	shalt  }
0x57: {  	_ =	shalt  }
0x58: {  	_ =	shalt  }
0x59: {  	_ =	shalt  }
0x5a: {  	_ =	shalt  }
0x5b: {  	_ =	shalt  }
0x5c: {  	_ =	shalt  }
0x5d: {  	_ =	shalt  }
0x5e: {  	_ =	shalt  }
0x5f: {  	_ =	shalt  }
0x60: {  	_ =	shalt  }
0x61: {  	_ =	shalt  }
0x62: {  	_ =	shalt  }
0x63: {  	_ =	shalt  }
0x64: {  	_ =	shalt  }
0x65: {  	_ =	shalt  }
0x66: {  	_ =	shalt  }
0x67: {  	_ =	shalt  }
0x68: {  	_ =	shalt  }
0x69: {  	_ =	shalt  }
0x6a: {  	_ =	shalt  }
0x6b: {  	_ =	shalt  }
0x6c: {  	_ =	shalt  }
0x6d: {  	_ =	shalt  }
0x6e: {  	_ =	shalt  }
0x6f: {  	_ =	shalt  }
0x70: {  	_ =	shalt  }
0x71: {  	_ =	shalt  }
0x72: {  	_ =	shalt  }
0x73: {  	_ =	shalt  }
0x74: {  	_ =	shalt  }
0x75: {  	_ =	shalt  }
0x76: {  	_ =	shalt  }
0x77: {  	_ =	shalt  }
0x78: {  	_ =	shalt  }
0x79: {  	_ =	shalt  }
0x7a: {  	_ =	shalt  }
0x7b: {  	_ =	shalt  }
0x7c: {  	_ =	shalt  }
0x7d: {  	_ =	shalt  }
0x7e: {  	_ =	shalt  }
0x7f: {  	_ =	shalt  }
0x80: {  	_ =	shalt  }
0x81: {  	_ =	shalt  }
0x82: {  	_ =	shalt  }
0x83: {  	_ =	shalt  }
0x84: {  	_ =	shalt  }
0x85: {  	_ =	shalt  }
0x86: {  	_ =	shalt  }
0x87: {  	_ =	shalt  }
.Lfunc_end0:
.L_simem_size_0:
called_computation_lowered:
.L_overlay_start_0:
0x88: {  	s2 =	sld [smem:$0x3FD9]  }
0x89: {  	s3 =	sld [smem:$0x3FFE];
	_ =	sdelay $0x1  }
0x8a: {  	s1 =	srdreg.scid  }
0x8b: {  	s0 =	sand.u32 $0x1, s1  }
0x8c: {  	s17 =	sshll.u32 s0, $0xA;
	s2 =	sadd.s32 s3, s2  }
0x8d: {  	s2 =	sadd.s32 s2, s17  }
0x8e: {  	[smem:$0x3FC6] =	sst s2  }
0x8f: {  	_ = 	snop  }
0x90: {  	s2 =	sld [smem:$0x3FC8]  }
0x91: {  	s18 =	sld [smem:$0x3FD0];
	(tm) =	ssettm $0x1  }
0x92: {  	s4 =	sld [smem:$0x3FFB];
	_ =	sdelay $0x3  }
0x93: {  	_ =	strace s4  }
0x94: {  	s4 =	sld [smem:$0x3FFC];
	_ =	sdelay $0x3  }
0x95: {  	_ =	strace s4  }
0x96: {  	s4 =	sld [smem:$0x3FFD];
	_ =	sdelay $0x3  }
0x97: {  	_ =	strace s4  }
0x98: {  	_ =	strace $0x8FFFFFFF  }
0x99: {  	s19 =	sld [smem:$0x3FDB];
	_ =	sdelay $0x1  }
0x9a: {  	s5 =	simm.s32 $_scs_section_size  }
0x9b: {  	s6 =	simm.s32 $_size__tile_overlayer_lowered;
	s7 =	simm.s32 $_tile_overlayer_lowered  }
0x9c: {  	s22 =	simm.s32 $0x1BFF;
	s21 =	sshll.u32 s7, $0x1;
	s4 =	sadd.s32 s5, s19  }
0x9d: {  	s8 =	simm.s32 $0x0;
	s20 =	sshll.u32 s6, $0x1;
	s6 =	sadd.s32 s21, s4  }
0x9e: {  	[timem:s8], [sflag:s22] =	dma.local [hbm:s6], s20  }
0x9f: {  	_ =	swait.ge [sflag:s22], s20  }
0xa0: {  	s5 =	ssub.s32 $0x0, s20;
	[sflag:s22] =	ssyncset.done $0x0  }
0xa1: {  	[sflag:s22] =	ssyncadd.s32 s5;
	_ =	sdelay $0x1  }
0xa2: {  	s23 =	simm.s32 $0x1B8B  }
0xa3: {  	_ =	swait.ge [sflag:s23], $0x1  }
0xa4: {  	[sflag:s23] =	ssyncset.done $0x0  }
0xa5: {  	s25 =	simm.s32 $0x1B8E;
	s24 =	sld [smem:$0x3FFE];
	[sflag:s23] =	ssyncadd.s32 $0xFFFFFFFF  }
0xa6: {  	s26 =	simm.s32 $execute0_lowered;
	[smem:$0x3FD2] =	sst s25  }
0xa7: {  	s6 =	sshll.u32 s26, $0x1;
	_ =	strace $0x80000046;
	[dreg:$0x1] =	wrdreg $0xFFFFFFFF  }
0xa8: {  	s28 =	simm.s32 $_size_execute0_lowered;
	s4 =	sadd.s32 s4, s6;
	[dreg:$0x0] =	wrdreg $0x0  }
0xa9: {  	s6 =	sshll.u32 s28, $0x1;
	[dreg:$0x2] =	wrdreg s4  }
0xaa: {  	[dreg:$0x3] =	wrdreg s6  }
0xab: {  	[dreg:$0x4] =	wrdreg $0xC0  }
0xac: {  	_ =	task [dreg:s8], $0x5FFFF  }
0xad: {  	[dreg:$0x1] =	wrdreg $0xFFFFFFFF  }
0xae: {  	[dreg:$0x0] =	wrdreg $0x60  }
0xaf: {  	[dreg:$0x2] =	wrdreg s24  }
0xb0: {  	[dreg:$0x3] =	wrdreg s2  }
0xb1: {  	[dreg:$0x4] =	wrdreg s18  }
0xb2: {  	[dreg:$0x5] =	wrdreg $0x1C000  }
0xb3: {  	[dreg:$0x6] =	wrdreg $0x9  }
0xb4: {  	_ =	task.clear_ibuf [dreg:s8], $0x7FFFF;
	_ =	strace $0x90000046  }
0xb5: {  	s29 =	simm.s32 $0x9;
	_ =	strace $0x80000048  }
0xb6: {  	_ =	swait.ge [sflag:s29], $0x1  }
0xb7: {  	[sflag:s29] =	ssyncadd.s32 $0xFFFFFFFF  }
0xb8: {  	_ =	strace $0x90000048  }
0xb9: {  	_ =	sfence  }
0xba: {  	s30 =	sld [smem:$0x0];
	_ =	sdelay $0x2  }
0xbb: {  	s31 =	sshll.u32 s1, $0xD;
	s1 =	sshrl.u32 s1, $0x2  }
0xbc: {  	s3 =	sand.u32 $0x4000, s31;
	s1 =	sadd.s32 s1, s30  }
0xbd: {  	s0 =	sor.u32 s3, s0;
	s1 =	sshll.u32 s1, $0x11  }
0xbe: {  	s0 =	sor.u32 s1, s0  }
0xbf: {  	s0 =	sadd.s32 $0x8F2B, s0  }
0xc0: {  	[sflag:s0] =	ssyncadd.remote.s32 $0x1  }
0xc1: {  	_ =	sfence.sel $0xFFFF  }
0xc2: {  	[dreg:$0x0] =	wrdreg $0xFFFFFFFF;
	(pc) =	sbr.abs _section_cstart, $3  }
0xc3: {  	[dreg:$0x1] =	wrdreg $0xFFFFFFFF  }
0xc4: {  	_ =	task.clear_ibuf [dreg:s8], $0x2FFFF;
	_ =	strace $0x9FFFFFFF  }
0xc5: {  	(tm) =	ssettm $0x7FFFFFFF  }
tec
execute0_lowered:
.L_overlay_start_1:
0x0: {  	(tag) =	ssettag $0x1  }
0x1: {  	s0 =	rddreg [dreg:$0x0]  }
0x2: {  	s1 =	srdreg.scid;
	s6 =	rddreg [dreg:$0x2]  }
0x3: {  	s4 =	stileid.u32;
	s2 =	rddreg [dreg:$0x3];
	s16 =	simm.s32 $0xD  }
0x4: {  	s28 =	simm.s32 $0x13B40;
	s29 =	simm.s32 $0x3;
	s31 =	simm.s32 $0x17B40  }
0x5: {  	s30 =	simm.s32 $0x9;
	s1 =	sand.u32 $0x1, s1;
	s3 =	sshll.u32 s4, $0x1  }
0x6: {  	s21 =	smul.u32 $0x32000, s4;
	p0 =	sne.s32 s4, $0x0;
	s4 =	simm.s32 $0xA  }
0x7: {  	s5 =	sor.u32 s1, s3;
	s8 =	ssub.s32 $0x2, s1;
	s1 =	smul.u32 $0x19000, s1  }
0x8: {  	s3 =	simm.s32 $0x0;
	s15 =	sshrl.u32 @!p0 s2, $0x3;
	s7 =	smul.u32 $0x380, s5  }
0x9: {  	[smem:$0x7FF] =	sst s3;
	s9 =	smul.u32 $0xC8000, s5;
	s10 =	sshrl.u32 s8, $0x1  }
0xa: {  	s5 =	smul.u32 $0x19000, s5;
	_ =	strace $0x80000047;
	s17 =	ssub.s32 s8, s10  }
0xb: {  	s8 =	simm.s32 $0x0;
	s0 =	sadd.s32 s7, s0;
	s18 =	sshrl.u32 s9, $0x3  }
0xc: {  	s5 =	sadd.s32 s6, s5;
	s13 =	smax.u32 s17, $0x1;
	s17 =	simm.s32 $0x80  }
0xd: {  	s7 =	simm.s32 $0xC;
	s0 =	sadd.s32 $0x400, s0;
	s19 =	sadd.s32 s6, s18  }
0xe: {  	[dreg:$0x6] =	wrdreg s5;
	s5 =	sadd.s32 $0x800, s5;
	s6 =	sadd.s32 s21, s6  }
0xf: {  	s18 =	simm.s32 $0x3B40;
	s21 =	simm.s32 $0xBB40;
	[dreg:$0x5] =	wrdreg s0  }
0x10: {  	[dreg:$0x7] =	wrdreg s5;
	s20 =	sadd.s32 $0x1000, s19;
	s22 =	sadd.s32 $0x1800, s19  }
0x11: {  	s23 =	sadd.s32 $0x2000, s19;
	s24 =	sadd.s32 $0x17800, s19;
	[dreg:$0x8] =	wrdreg s20  }
0x12: {  	s25 =	sadd.s32 $0x18000, s19;
	s12 =	sadd.s32 $0x18800, s19;
	[dreg:$0x9] =	wrdreg s22  }
0x13: {  	s26 =	sadd.s32 s1, s6;
	s19 =	simm.s32 $0x7B40;
	[dreg:$0xa] =	wrdreg s23  }
0x14: {  	s1 =	simm.s32 $0x4;
	s0 =	simm.s32 $0x7;
	[dreg:$0xb] =	wrdreg s24  }
0x15: {  	s6 =	simm.s32 $0xB;
	[dreg:$0xc] =	wrdreg s25;
	s14 =	sadd.s32 $0x2800, s26  }
0x16: {  	s22 =	simm.s32 $0x1;
	s24 =	simm.s32 $0xFB40;
	s25 =	simm.s32 $0x2  }
0x17: {  	s23 =	simm.s32 $0x5;
	s26 =	simm.s32 $0x8;
	s20 =	simm.s32 $0x6  }
.LBB2_1:
0x18: {  	s9 =	simm.s32 @!p0 $0x1C0D;
	s5 =	rddreg [dreg:$0x1]  }
0x19: {  	[spmem:s15], [sflag:s9] =	dma.local @!p0 [hbm:s5], $0x3E80  }
0x1a: {  	s9 =	simm.s32 @!p0 $0xD  }
0x1b: {  	_ =	swait.ge @!p0 [sflag:s9], $0x3E80  }
0x1c: {  	[sflag:s9] =	ssyncset.done @!p0 $0x0  }
0x1d: {  	s11 =	rddreg [dreg:$0x5];
	[sflag:s9] =	ssyncadd.s32 @!p0 $0xFFFFC180  }
0x1e: {  	[tilespmem:s3], [sflag:$0xD] =	stream.linear.gather [hbm4b:s11+s3], $0x1900, $0x38;
	[tilespmem:$0x1BB40] =	vst v63  }
0x1f: {  	_ =	swait.ge [sflag:s16], $0x1900  }
0x20: {  	[sflag:s16] =	ssyncset.done $0x0  }
0x21: {  	[sflag:s16] =	ssyncadd.s32 $0xFFFFE700  }
0x22: {  	[bflag:$0x0] =	sbarrier.arrive $0xFFFF  }
0x23: {  	[tilespmem:s18], [sflag:$0x1] =	stream.indirect.gather [spmem:s2], $0x80, s3, s17, $0xb8;
	[tilespmem:$0x1BB40] =	vst v63  }
0x24: {  	_ = 	snop  }
0x25: {  	[tilespmem:s19], [sflag:$0x2] =	stream.indirect.gather [spmem:s2], $0x80, s17, s17, $0xb8;
	[tilespmem:$0x1BB40] =	vst v63  }
0x26: {  	s9 =	simm.s32 $0x100  }
0x27: {  	[tilespmem:s21], [sflag:$0x3] =	stream.indirect.gather [spmem:s2], $0x80, s9, s17, $0xb8;
	[tilespmem:$0x1BB40] =	vst v63  }
0x28: {  	_ =	swait.ge [sflag:s22], $0x4000  }
0x29: {  	[sflag:s22] =	ssyncset.done $0x0  }
0x2a: {  	s10 =	rddreg [dreg:$0x6];
	[sflag:s22] =	ssyncadd.s32 $0xFFFFC000  }
0x2b: {  	[hbm4b:s10+s3] =	stream.linear.scatter [tilespmem:s18], [sflag:$0x7], $0x4000, $0x38;
	[tilespmem:$0x1BB40] =	vst v63  }
0x2c: {  	s11 =	simm.s32 $0x180  }
0x2d: {  	[tilespmem:s24], [sflag:$0x4] =	stream.indirect.gather [spmem:s2], $0x80, s11, s17, $0xb8;
	[tilespmem:$0x1BB40] =	vst v63  }
0x2e: {  	_ =	swait.ge [sflag:s25], $0x4000  }
0x2f: {  	[sflag:s25] =	ssyncset.done $0x0  }
0x30: {  	s9 =	rddreg [dreg:$0x7];
	[sflag:s25] =	ssyncadd.s32 $0xFFFFC000  }
0x31: {  	[hbm4b:s9+s3] =	stream.linear.scatter [tilespmem:s19], [sflag:$0x8], $0x4000, $0x38;
	[tilespmem:$0x1BB40] =	vst v63  }
0x32: {  	s10 =	simm.s32 $0x200  }
0x33: {  	[tilespmem:s28], [sflag:$0x5] =	stream.indirect.gather [spmem:s2], $0x80, s10, s17, $0xb8;
	[tilespmem:$0x1BB40] =	vst v63  }
0x34: {  	_ =	swait.ge [sflag:s29], $0x4000  }
0x35: {  	[sflag:s29] =	ssyncset.done $0x0  }
0x36: {  	s11 =	rddreg [dreg:$0x8];
	[sflag:s29] =	ssyncadd.s32 $0xFFFFC000  }
0x37: {  	[hbm4b:s11+s3] =	stream.linear.scatter [tilespmem:s21], [sflag:$0x9], $0x4000, $0x38;
	[tilespmem:$0x1BB40] =	vst v63  }
0x38: {  	s9 =	simm.s32 $0x280  }
0x39: {  	[tilespmem:s31], [sflag:$0x6] =	stream.indirect.gather [spmem:s2], $0x80, s9, s17, $0xb8;
	[tilespmem:$0x1BB40] =	vst v63  }
0x3a: {  	_ =	swait.ge [sflag:s1], $0x4000  }
0x3b: {  	[sflag:s1] =	ssyncset.done $0x0  }
0x3c: {  	s10 =	rddreg [dreg:$0x9];
	[sflag:s1] =	ssyncadd.s32 $0xFFFFC000  }
0x3d: {  	[hbm4b:s10+s3] =	stream.linear.scatter [tilespmem:s24], [sflag:$0xA], $0x4000, $0x38;
	[tilespmem:$0x1BB40] =	vst v63  }
0x3e: {  	_ =	swait.ge [sflag:s0], $0x4000  }
0x3f: {  	[sflag:s0] =	ssyncset.done $0x0  }
0x40: {  	s11 =	simm.s32 $0x300;
	[sflag:s0] =	ssyncadd.s32 $0xFFFFC000  }
0x41: {  	[tilespmem:s18], [sflag:$0x1] =	stream.indirect.gather [spmem:s2], $0x80, s11, s17, $0xb8;
	[tilespmem:$0x1BB40] =	vst v63  }
0x42: {  	_ =	swait.ge [sflag:s23], $0x4000  }
0x43: {  	[sflag:s23] =	ssyncset.done $0x0  }
0x44: {  	s9 =	rddreg [dreg:$0xa];
	[sflag:s23] =	ssyncadd.s32 $0xFFFFC000  }
0x45: {  	[hbm4b:s9+s3] =	stream.linear.scatter [tilespmem:s28], [sflag:$0xB], $0x4000, $0x38;
	[tilespmem:$0x1BB40] =	vst v63  }
0x46: {  	_ =	swait.ge [sflag:s26], $0x4000  }
0x47: {  	[sflag:s26] =	ssyncset.done $0x0  }
0x48: {  	s10 =	simm.s32 $0x380;
	[sflag:s26] =	ssyncadd.s32 $0xFFFFC000  }
0x49: {  	[tilespmem:s19], [sflag:$0x2] =	stream.indirect.gather [spmem:s2], $0x80, s10, s17, $0xb8;
	[tilespmem:$0x1BB40] =	vst v63  }
0x4a: {  	_ =	swait.ge [sflag:s20], $0x4000  }
0x4b: {  	[sflag:s20] =	ssyncset.done $0x0  }
0x4c: {  	[sflag:s20] =	ssyncadd.s32 $0xFFFFC000  }
0x4d: {  	[hbm4b:s14+s3] =	stream.linear.scatter [tilespmem:s31], [sflag:$0xC], $0x4000, $0x38;
	[tilespmem:$0x1BB40] =	vst v63  }
0x4e: {  	_ =	swait.ge [sflag:s30], $0x4000  }
0x4f: {  	[sflag:s30] =	ssyncset.done $0x0  }
0x50: {  	s11 =	simm.s32 $0x400;
	[sflag:s30] =	ssyncadd.s32 $0xFFFFC000  }
0x51: {  	[tilespmem:s21], [sflag:$0x3] =	stream.indirect.gather [spmem:s2], $0x80, s11, s17, $0xb8;
	[tilespmem:$0x1BB40] =	vst v63  }
0x52: {  	_ =	swait.ge [sflag:s22], $0x4000  }
0x53: {  	[sflag:s22] =	ssyncset.done $0x0  }
0x54: {  	s5 =	sadd.s32 $0x800, s14;
	[sflag:s22] =	ssyncadd.s32 $0xFFFFC000  }
0x55: {  	[hbm4b:s5+s3] =	stream.linear.scatter [tilespmem:s18], [sflag:$0x7], $0x4000, $0x38;
	[tilespmem:$0x1BB40] =	vst v63  }
0x56: {  	_ =	swait.ge [sflag:s4], $0x4000  }
0x57: {  	[sflag:s4] =	ssyncset.done $0x0  }
0x58: {  	s10 =	simm.s32 $0x480;
	[sflag:s4] =	ssyncadd.s32 $0xFFFFC000  }
0x59: {  	[tilespmem:s24], [sflag:$0x4] =	stream.indirect.gather [spmem:s2], $0x80, s10, s17, $0xb8;
	[tilespmem:$0x1BB40] =	vst v63  }
0x5a: {  	_ =	swait.ge [sflag:s25], $0x4000  }
0x5b: {  	[sflag:s25] =	ssyncset.done $0x0  }
0x5c: {  	s11 =	sadd.s32 $0x1000, s14;
	[sflag:s25] =	ssyncadd.s32 $0xFFFFC000  }
0x5d: {  	[hbm4b:s11+s3] =	stream.linear.scatter [tilespmem:s19], [sflag:$0x8], $0x4000, $0x38;
	[tilespmem:$0x1BB40] =	vst v63  }
0x5e: {  	_ =	swait.ge [sflag:s6], $0x4000  }
0x5f: {  	[sflag:s6] =	ssyncset.done $0x0  }
0x60: {  	s5 =	simm.s32 $0x500;
	[sflag:s6] =	ssyncadd.s32 $0xFFFFC000  }
0x61: {  	[tilespmem:s28], [sflag:$0x5] =	stream.indirect.gather [spmem:s2], $0x80, s5, s17, $0xb8;
	[tilespmem:$0x1BB40] =	vst v63  }
0x62: {  	_ =	swait.ge [sflag:s29], $0x4000  }
0x63: {  	[sflag:s29] =	ssyncset.done $0x0  }
0x64: {  	s10 =	sadd.s32 $0x1800, s14;
	[sflag:s29] =	ssyncadd.s32 $0xFFFFC000  }
0x65: {  	[hbm4b:s10+s3] =	stream.linear.scatter [tilespmem:s21], [sflag:$0x9], $0x4000, $0x38;
	[tilespmem:$0x1BB40] =	vst v63  }
0x66: {  	_ =	swait.ge [sflag:s7], $0x4000  }
0x67: {  	[sflag:s7] =	ssyncset.done $0x0  }
0x68: {  	s11 =	simm.s32 $0x580;
	[sflag:s7] =	ssyncadd.s32 $0xFFFFC000  }
0x69: {  	[tilespmem:s31], [sflag:$0x6] =	stream.indirect.gather [spmem:s2], $0x80, s11, s17, $0xb8;
	[tilespmem:$0x1BB40] =	vst v63  }
0x6a: {  	_ =	swait.ge [sflag:s1], $0x4000  }
0x6b: {  	[sflag:s1] =	ssyncset.done $0x0  }
0x6c: {  	s5 =	sadd.s32 $0x2000, s14;
	[sflag:s1] =	ssyncadd.s32 $0xFFFFC000  }
0x6d: {  	[hbm4b:s5+s3] =	stream.linear.scatter [tilespmem:s24], [sflag:$0xA], $0x4000, $0x38;
	[tilespmem:$0x1BB40] =	vst v63  }
0x6e: {  	_ =	swait.ge [sflag:s0], $0x4000  }
0x6f: {  	[sflag:s0] =	ssyncset.done $0x0  }
0x70: {  	s10 =	simm.s32 $0x600;
	[sflag:s0] =	ssyncadd.s32 $0xFFFFC000  }
0x71: {  	[tilespmem:s18], [sflag:$0x1] =	stream.indirect.gather [spmem:s2], $0x80, s10, s17, $0xb8;
	[tilespmem:$0x1BB40] =	vst v63  }
0x72: {  	_ =	swait.ge [sflag:s23], $0x4000  }
0x73: {  	[sflag:s23] =	ssyncset.done $0x0  }
0x74: {  	s11 =	sadd.s32 $0x2800, s14;
	[sflag:s23] =	ssyncadd.s32 $0xFFFFC000  }
0x75: {  	[hbm4b:s11+s3] =	stream.linear.scatter [tilespmem:s28], [sflag:$0xB], $0x4000, $0x38;
	[tilespmem:$0x1BB40] =	vst v63  }
0x76: {  	_ =	swait.ge [sflag:s26], $0x4000  }
0x77: {  	s9 =	simm.s32 $0xC00;
	[sflag:s26] =	ssyncset.done $0x0  }
0x78: {  	s10 =	sadd.s32 $0x3000, s14;
	s11 =	simm.s32 $0x680;
	[sflag:s26] =	ssyncadd.s32 $0xFFFFC000  }
.LBB2_2:
0x79: {  	[tilespmem:s19], [sflag:$0x2] =	stream.indirect.gather [spmem:s2], $0x80, s11, s17, $0xb8;
	[tilespmem:$0x1BB40] =	vst v63  }
0x7a: {  	s11 =	smov.u32 s9  }
0x7b: {  	p1 =	sne.s32 s9, $0x4800;
	s9 =	sadd.s32 $0xC00, s9;
	_ =	swait.ge [sflag:s20], $0x4000  }
0x7c: {  	[sflag:s20] =	ssyncset.done $0x0  }
0x7d: {  	[sflag:s20] =	ssyncadd.s32 $0xFFFFC000  }
0x7e: {  	[hbm4b:s10+s3] =	stream.linear.scatter [tilespmem:s31], [sflag:$0xC], $0x4000, $0x38;
	[tilespmem:$0x1BB40] =	vst v63  }
0x7f: {  	_ =	swait.ge [sflag:s30], $0x4000  }
0x80: {  	s11 =	sshra.s32 s11, $0x2;
	[sflag:s30] =	ssyncset.done $0x0  }
0x81: {  	s5 =	sadd.s32 $0x400, s11;
	[sflag:s30] =	ssyncadd.s32 $0xFFFFC000  }
0x82: {  	[tilespmem:s21], [sflag:$0x3] =	stream.indirect.gather [spmem:s2], $0x80, s5, s17, $0xb8;
	[tilespmem:$0x1BB40] =	vst v63  }
0x83: {  	_ =	swait.ge [sflag:s22], $0x4000  }
0x84: {  	[sflag:s22] =	ssyncset.done $0x0  }
0x85: {  	s5 =	sadd.s32 $0x800, s10;
	[sflag:s22] =	ssyncadd.s32 $0xFFFFC000  }
0x86: {  	[hbm4b:s5+s3] =	stream.linear.scatter [tilespmem:s18], [sflag:$0x7], $0x4000, $0x38;
	[tilespmem:$0x1BB40] =	vst v63  }
0x87: {  	_ =	swait.ge [sflag:s4], $0x4000  }
0x88: {  	[sflag:s4] =	ssyncset.done $0x0  }
0x89: {  	s5 =	sadd.s32 $0x480, s11;
	[sflag:s4] =	ssyncadd.s32 $0xFFFFC000  }
0x8a: {  	[tilespmem:s24], [sflag:$0x4] =	stream.indirect.gather [spmem:s2], $0x80, s5, s17, $0xb8;
	[tilespmem:$0x1BB40] =	vst v63  }
0x8b: {  	_ =	swait.ge [sflag:s25], $0x4000  }
0x8c: {  	[sflag:s25] =	ssyncset.done $0x0  }
0x8d: {  	s5 =	sadd.s32 $0x1000, s10;
	[sflag:s25] =	ssyncadd.s32 $0xFFFFC000  }
0x8e: {  	[hbm4b:s5+s3] =	stream.linear.scatter [tilespmem:s19], [sflag:$0x8], $0x4000, $0x38;
	[tilespmem:$0x1BB40] =	vst v63  }
0x8f: {  	_ =	swait.ge [sflag:s6], $0x4000  }
0x90: {  	[sflag:s6] =	ssyncset.done $0x0  }
0x91: {  	s5 =	sadd.s32 $0x500, s11;
	[sflag:s6] =	ssyncadd.s32 $0xFFFFC000  }
0x92: {  	[tilespmem:s28], [sflag:$0x5] =	stream.indirect.gather [spmem:s2], $0x80, s5, s17, $0xb8;
	[tilespmem:$0x1BB40] =	vst v63  }
0x93: {  	_ =	swait.ge [sflag:s29], $0x4000  }
0x94: {  	[sflag:s29] =	ssyncset.done $0x0  }
0x95: {  	s5 =	sadd.s32 $0x1800, s10;
	[sflag:s29] =	ssyncadd.s32 $0xFFFFC000  }
0x96: {  	[hbm4b:s5+s3] =	stream.linear.scatter [tilespmem:s21], [sflag:$0x9], $0x4000, $0x38;
	[tilespmem:$0x1BB40] =	vst v63  }
0x97: {  	_ =	swait.ge [sflag:s7], $0x4000  }
0x98: {  	[sflag:s7] =	ssyncset.done $0x0  }
0x99: {  	s5 =	sadd.s32 $0x580, s11;
	[sflag:s7] =	ssyncadd.s32 $0xFFFFC000  }
0x9a: {  	[tilespmem:s31], [sflag:$0x6] =	stream.indirect.gather [spmem:s2], $0x80, s5, s17, $0xb8;
	[tilespmem:$0x1BB40] =	vst v63  }
0x9b: {  	_ =	swait.ge [sflag:s1], $0x4000  }
0x9c: {  	[sflag:s1] =	ssyncset.done $0x0  }
0x9d: {  	s5 =	sadd.s32 $0x2000, s10;
	[sflag:s1] =	ssyncadd.s32 $0xFFFFC000  }
0x9e: {  	[hbm4b:s5+s3] =	stream.linear.scatter [tilespmem:s24], [sflag:$0xA], $0x4000, $0x38;
	[tilespmem:$0x1BB40] =	vst v63  }
0x9f: {  	_ =	swait.ge [sflag:s0], $0x4000  }
0xa0: {  	[sflag:s0] =	ssyncset.done $0x0  }
0xa1: {  	s5 =	sadd.s32 $0x600, s11;
	[sflag:s0] =	ssyncadd.s32 $0xFFFFC000  }
0xa2: {  	[tilespmem:s18], [sflag:$0x1] =	stream.indirect.gather [spmem:s2], $0x80, s5, s17, $0xb8;
	[tilespmem:$0x1BB40] =	vst v63  }
0xa3: {  	_ =	swait.ge [sflag:s23], $0x4000  }
0xa4: {  	[sflag:s23] =	ssyncset.done $0x0  }
.Ltmp0:
0xa5: {  	s5 =	sadd.s32 $0x2800, s10;
	[sflag:s23] =	ssyncadd.s32 $0xFFFFC000;
	(pc) =	sbr.rel @p1 .LBB2_2-.Ltmp0, $4  }
0xa6: {  	[hbm4b:s5+s3] =	stream.linear.scatter [tilespmem:s28], [sflag:$0xB], $0x4000, $0x38;
	[tilespmem:$0x1BB40] =	vst v63  }
0xa7: {  	_ =	swait.ge [sflag:s26], $0x4000  }
0xa8: {  	[sflag:s26] =	ssyncset.done $0x0  }
0xa9: {  	s11 =	sadd.s32 $0x680, s11;
	s10 =	sadd.s32 $0x3000, s10;
	[sflag:s26] =	ssyncadd.s32 $0xFFFFC000  }
0xaa: {  	[tilespmem:s19], [sflag:$0x2] =	stream.indirect.gather [spmem:s2], $0x80, s11, s17, $0xb8;
	[tilespmem:$0x1BB40] =	vst v63  }
0xab: {  	_ =	swait.ge [sflag:s20], $0x4000  }
0xac: {  	[sflag:s20] =	ssyncset.done $0x0  }
0xad: {  	s5 =	rddreg [dreg:$0xb];
	[sflag:s20] =	ssyncadd.s32 $0xFFFFC000  }
0xae: {  	[hbm4b:s5+s3] =	stream.linear.scatter [tilespmem:s31], [sflag:$0xC], $0x4000, $0x38;
	[tilespmem:$0x1BB40] =	vst v63  }
0xaf: {  	_ =	swait.ge [sflag:s30], $0x4000  }
0xb0: {  	[sflag:s30] =	ssyncset.done $0x0  }
0xb1: {  	[sflag:s30] =	ssyncadd.s32 $0xFFFFC000  }
0xb2: {  	_ =	swait.ge [sflag:s22], $0x4000  }
0xb3: {  	[sflag:s22] =	ssyncset.done $0x0  }
0xb4: {  	s11 =	rddreg [dreg:$0xc];
	[sflag:s22] =	ssyncadd.s32 $0xFFFFC000  }
0xb5: {  	[hbm4b:s11+s3] =	stream.linear.scatter [tilespmem:s18], [sflag:$0x7], $0x4000, $0x38;
	[tilespmem:$0x1BB40] =	vst v63  }
0xb6: {  	_ =	swait.ge [sflag:s4], $0x4000  }
0xb7: {  	[sflag:s4] =	ssyncset.done $0x0  }
0xb8: {  	[sflag:s4] =	ssyncadd.s32 $0xFFFFC000  }
0xb9: {  	_ =	swait.ge [sflag:s25], $0x4000  }
0xba: {  	[sflag:s25] =	ssyncset.done $0x0  }
0xbb: {  	[sflag:s25] =	ssyncadd.s32 $0xFFFFC000  }
0xbc: {  	[hbm4b:s12+s3] =	stream.linear.scatter [tilespmem:s19], [sflag:$0x8], $0x4000, $0x38;
	[tilespmem:$0x1BB40] =	vst v63  }
0xbd: {  	_ =	swait.ge [sflag:s6], $0x4000  }
0xbe: {  	[sflag:s6] =	ssyncset.done $0x0  }
0xbf: {  	[sflag:s6] =	ssyncadd.s32 $0xFFFFC000  }
0xc0: {  	_ =	swait.ge [sflag:s7], $0x4000  }
0xc1: {  	[sflag:s7] =	ssyncset.done $0x0  }
0xc2: {  	s8 =	sadd.s32 $0x1, s8;
	[sflag:s7] =	ssyncadd.s32 $0xFFFFC000  }
0xc3: {  	p1 =	sne.s32 s8, s13;
	_ =	swait.ge [sflag:s0], $0x4000  }
.Ltmp1:
0xc4: {  	[sflag:s0] =	ssyncset.done $0x0;
	(pc) =	sbr.rel @p1 .LBB2_1-.Ltmp1, $4  }
0xc5: {  	[sflag:s0] =	ssyncadd.s32 $0xFFFFC000  }
0xc6: {  	_ =	swait.ge [sflag:s26], $0x4000  }
0xc7: {  	[sflag:s26] =	ssyncset.done $0x0  }
0xc8: {  	[sflag:s26] =	ssyncadd.s32 $0xFFFFC000  }
0xc9: {  	_ =	sfence.sel $0x180000  }
0xca: {  	[bflag:$0x0] =	sbarrier.arrive $0xFFFF  }
0xcb: {  	_ =	strace $0x90000047  }
0xcc: {  	[bflag:$0x2] =	sbarrier.arrive $0xFFFF  }
0xcd: {  	s0 =	rddreg [dreg:$0x4]  }
0xce: {  	s0 =	sadd.s32 @!p0 $0x100000, s0  }
0xcf: {  	[sflag:s0] =	ssyncadd.tile.s32 @!p0 $0x1;
	_ =	shalt  }
.Lfunc_end2:
_tile_overlayer_lowered:
.L_overlay_start_2:
0xd0: {  	(tag) =	ssettag $0x2  }
0xd1: {  	s0 =	rddreg [dreg:$0x0];
	s2 =	stileid.u32  }
0xd2: {  	s1 =	rddreg [dreg:$0x1];
	p0 =	sne.s32 s2, $0x0  }
0xd3: {  	s3 =	rddreg [dreg:$0x2];
	[bflag:$0x3] =	sbarrier.arrive $0xFFFF;
	s2 =	simm.s32 @!p0 $0x1C0D  }
0xd4: {  	[timem:s3], [sflag:s2] =	dma.local @!p0 [hbm:s0], s1  }
0xd5: {  	s0 =	simm.s32 @!p0 $0xD  }
0xd6: {  	_ =	swait.ge @!p0 [sflag:s0], s1  }
0xd7: {  	s1 =	ssub.s32 @!p0 $0x0, s1;
	[sflag:s0] =	ssyncset.done @!p0 $0x0  }
0xd8: {  	[sflag:s0] =	ssyncadd.s32 @!p0 s1  }
0xd9: {  	[bflag:$0x3] =	sbarrier.arrive $0xFFFF  }
0xda: {  	_ =	shalt  }

</sc_bundles>
